<compile_context>
chip_gen: v7x
topology: tpu7x:2x2x1
jax: 0.10.2.dev20260603
libtpu: 0.0.44.dev20260713+nightly
codegen_flags: <defaults>
</compile_context>

<pallas_src>
import jax
import jax.numpy as jnp
from jax import lax
from jax.experimental import pallas as pl
from jax.experimental.pallas import tpu as pltpu
from jax.experimental.pallas import tpu_sc as plsc

NUM_FIELDS = 26
VOCAB_PER_FIELD = 100000
NUM_CLASSES = 8
BATCH = 16384

L = 16
NW = 32
ROWS_PER_OP = 128
ROWS_PER_W = BATCH // NW
BLK_PER_W = ROWS_PER_W // ROWS_PER_OP
OPS_PER_W = NUM_FIELDS * BLK_PER_W


def _sc_body(idx_hbm, table_hbm, out_hbm, idx_v, rows_v, ident_v, tmp_v,
             acc_sh, sem0, sem1):
    cid = lax.axis_index("c")
    sid = lax.axis_index("s")
    wid = sid * 2 + cid

    pltpu.sync_copy(idx_hbm.at[:, pl.ds(wid * ROWS_PER_W, ROWS_PER_W)], idx_v)

    lanes = lax.iota(jnp.int32, L)

    for j in range(BLK_PER_W):
        for v in range(ROWS_PER_OP // L):
            ident_v[j, pl.ds(v * L, L)] = lanes + (
                sid * ROWS_PER_W + j * ROWS_PER_OP + v * L)

    def _off_body(f, _):
        off = f * VOCAB_PER_FIELD
        for v in range(ROWS_PER_W // L):
            sl = pl.ds(v * L, L)
            idx_v[f, sl] = idx_v[f, sl] + off
        return 0

    lax.fori_loop(0, NUM_FIELDS, _off_body, 0)

    def _start_gather(k, slot_ref, sem):
        f = k // BLK_PER_W
        j = k % BLK_PER_W
        pltpu.make_async_copy(
            table_hbm.at[idx_v.at[f, pl.ds(j * ROWS_PER_OP, ROWS_PER_OP)]],
            slot_ref, sem).start()

    def _accumulate(k, slot_ref, sem):
        f = k // BLK_PER_W
        j = k % BLK_PER_W
        pltpu.make_async_copy(
            table_hbm.at[idx_v.at[f, pl.ds(j * ROWS_PER_OP, ROWS_PER_OP)]],
            slot_ref, sem).wait()

        @pl.when(f == 0)
        def _init():
            pltpu.sync_copy(slot_ref, acc_sh.at[ident_v.at[j]])

        @pl.when(f != 0)
        def _accum():
            pltpu.sync_copy(slot_ref, acc_sh.at[ident_v.at[j]], add=True)

    _start_gather(0, rows_v.at[0], sem0)

    def _pipe_body(kk, _):
        k0 = 2 * kk
        _start_gather(k0 + 1, rows_v.at[1], sem1)
        _accumulate(k0, rows_v.at[0], sem0)

        @pl.when(kk < OPS_PER_W // 2 - 1)
        def _next():
            _start_gather(k0 + 2, rows_v.at[0], sem0)

        _accumulate(k0 + 1, rows_v.at[1], sem1)
        return 0

    lax.fori_loop(0, OPS_PER_W // 2, _pipe_body, 0)

    pltpu.sync_copy(acc_sh.at[pl.ds(sid * ROWS_PER_W, ROWS_PER_W)], tmp_v)
    pltpu.sync_copy(tmp_v, out_hbm.at[pl.ds(wid * ROWS_PER_W, ROWS_PER_W)])


@jax.jit
def _run(idx_t, table):
    mesh = plsc.VectorSubcoreMesh(core_axis_name="c", subcore_axis_name="s")
    call = pl.kernel(
        _sc_body,
        mesh=mesh,
        compiler_params=pltpu.CompilerParams(use_tc_tiling_on_sc=False),
        out_type=jax.ShapeDtypeStruct((BATCH, NUM_CLASSES), jnp.float32),
        scratch_types=[
            pltpu.VMEM((NUM_FIELDS, ROWS_PER_W), jnp.int32),
            pltpu.VMEM((2, ROWS_PER_OP, NUM_CLASSES), jnp.float32),
            pltpu.VMEM((BLK_PER_W, ROWS_PER_OP), jnp.int32),
            pltpu.VMEM((ROWS_PER_W, NUM_CLASSES), jnp.float32),
            pltpu.VMEM_SHARED((16 * ROWS_PER_W, NUM_CLASSES), jnp.float32),
            pltpu.SemaphoreType.DMA,
            pltpu.SemaphoreType.DMA,
        ],
    )
    return call(idx_t, table)


def kernel(indices, table):
    idx_t = indices.astype(jnp.int32).T
    return _run(idx_t, table)

# --- scband reference (transcript-rebuilt; emitter-appended) ---
"""Pipeline reference for scband-shallow-tower-layer-1984274891150 (READ-ONLY COPY).

The authoritative reference and input builder live on the scoring server;
editing this copy changes nothing except your own understanding.
"""

import jax, jax.numpy as jnp
import numpy as np

NUM_FIELDS = 26
VOCAB_PER_FIELD = 100000
NUM_CLASSES = 8
BATCH = 16384


def setup_inputs(seed: int = 0) -> dict:
    key = jax.random.key(seed)
    k_idx, k_tab = jax.random.split(key)
    indices = jax.random.randint(k_idx, (BATCH, NUM_FIELDS), 0, VOCAB_PER_FIELD, dtype=jnp.int64 if jax.config.read('jax_enable_x64') else jnp.int32)
    # One embedding table per sparse field, each [VOCAB_PER_FIELD, NUM_CLASSES],
    # concatenated into a single [NUM_FIELDS * VOCAB_PER_FIELD, NUM_CLASSES] table
    # (glorot-uniform-like init scale).
    limit = np.sqrt(6.0 / (VOCAB_PER_FIELD + NUM_CLASSES))
    table = jax.random.uniform(k_tab, (NUM_FIELDS * VOCAB_PER_FIELD, NUM_CLASSES), dtype=jnp.float32, minval=-limit, maxval=limit)
    return {"indices": indices, "table": table}


def reference(indices, table):
    # ShallowTowerLayer: linear combination of sparse features via a
    # SparseEmbeddingLayer with 'sum' combiner over fields.
    offsets = jnp.arange(NUM_FIELDS, dtype=indices.dtype) * VOCAB_PER_FIELD
    flat_ids = indices + offsets[None, :]            # [B, F], per-field offset into concat table
    emb = jnp.take(table, flat_ids, axis=0)           # [B, F, num_classes] gather
    out = jnp.sum(emb, axis=1)                        # 'sum' combiner across sparse fields
    return out                                        # [B, num_classes]

if __name__ == "__main__":
    import jax
    _d = setup_inputs()
    print(jax.jit(kernel)(*tuple(_d.values())))

</pallas_src>

<mosaic_0001>
#map = affine_map<(d0, d1) -> (0, 0)>
module attributes {stable_mosaic.version = 14 : i64} {
  func.func @_sc_body(%arg0: i32, %arg1: i32, %arg2: memref<26x16384xi32, #tpu.memory_space<hbm>>, %arg3: memref<2600000x8xf32, #tpu.memory_space<hbm>>, %arg4: memref<16384x8xf32, #tpu.memory_space<hbm>>, %arg5: memref<26x512xi32, #tpu.memory_space<vmem>>, %arg6: memref<2x128x8xf32, #tpu.memory_space<vmem>>, %arg7: memref<4x128xi32, #tpu.memory_space<vmem>>, %arg8: memref<512x8xf32, #tpu.memory_space<vmem>>, %arg9: memref<8192x8xf32, #tpu.memory_space<vmem_shared>>, %arg10: memref<!tpu.dma_semaphore, #tpu.memory_space<semaphore_mem>>, %arg11: memref<!tpu.dma_semaphore, #tpu.memory_space<semaphore_mem>>) attributes {dimension_semantics = [#tpu.dimension_semantics<core_parallel>, #tpu.dimension_semantics<subcore_parallel>], iteration_bounds = array<i64: 2, 16>, scalar_prefetch = 0 : i64, scratch_operands = 7 : i64, tpu.core_type = #tpu.core_type<sc_vector_subcore>, window_params = [{transform_indices = #map}, {transform_indices = #map}, {transform_indices = #map}]} {
    %mul3A = arith.constant 2 : i32
    %mul3A_0 = arith.muli %arg1, %mul3A : i32
    %add3A = arith.addi %mul3A_0, %arg0 : i32
    %mul3A_1 = arith.constant 512 : i32
    %mul3A_2 = arith.muli %add3A, %mul3A_1 : i32
    "tpu.region"() ({
      %run_scoped3A = tpu.sem_alloc : memref<!tpu.dma_semaphore, #tpu.memory_space<semaphore_mem>>
      %dma_start3A_478 = arith.constant 0 : i32
      %dma_start3A_479 = tpu.memref_slice %arg2[%dma_start3A_478, %mul3A_2] : memref<26x16384xi32, #tpu.memory_space<hbm>> -> memref<26x512xi32, #tpu.memory_space<hbm>>
      %dma_start3A_480 = arith.constant 0 : i32
      %dma_start3A_481 = tpu.memref_slice %arg2[%dma_start3A_480, %mul3A_2] : memref<26x16384xi32, #tpu.memory_space<hbm>> -> memref<26x512xi32, #tpu.memory_space<hbm>>
      tpu.enqueue_dma source(%dma_start3A_481 : memref<26x512xi32, #tpu.memory_space<hbm>>) target(%arg5 : memref<26x512xi32, #tpu.memory_space<vmem>>) target_semaphore(%run_scoped3A : memref<!tpu.dma_semaphore, #tpu.memory_space<semaphore_mem>>)
      %dma_wait3A = arith.constant 0 : i32
      %dma_wait3A_482 = tpu.memref_slice %arg2[%dma_wait3A, %mul3A_2] : memref<26x16384xi32, #tpu.memory_space<hbm>> -> memref<26x512xi32, #tpu.memory_space<hbm>>
      %dma_wait3A_483 = arith.constant 0 : i32
      %dma_wait3A_484 = tpu.memref_slice %arg2[%dma_wait3A_483, %mul3A_2] : memref<26x16384xi32, #tpu.memory_space<hbm>> -> memref<26x512xi32, #tpu.memory_space<hbm>>
      tpu.wait_dma2 semaphore(%run_scoped3A : memref<!tpu.dma_semaphore, #tpu.memory_space<semaphore_mem>>) src(%dma_wait3A_484 : memref<26x512xi32, #tpu.memory_space<hbm>>) dst(%arg5 : memref<26x512xi32, #tpu.memory_space<vmem>>)
      tpu.yield
    }) : () -> ()
    %iota3A = tpu.iota {dimensions = array<i32: 0>} : vector<16xi32>
    %mul3A_3 = arith.constant 512 : i32
    %mul3A_4 = arith.muli %arg1, %mul3A_3 : i32
    %add3A_5 = arith.constant 0 : i32
    %add3A_6 = arith.addi %mul3A_4, %add3A_5 : i32
    %add3A_7 = arith.constant 0 : i32
    %add3A_8 = arith.addi %add3A_6, %add3A_7 : i32
    %add3A_9 = vector.broadcast %add3A_8 : i32 to vector<16xi32>
    %add3A_10 = arith.addi %iota3A, %add3A_9 : vector<16xi32>
    %swap3A = arith.constant 0 : i32
    %swap3A_11 = arith.index_cast %swap3A : i32 to index
    %swap3A_12 = arith.constant 0 : index
    %swap3A_13 = tpu.vector_load %arg7[%swap3A_11, %swap3A_12] {strides = array<i32>} : memref<4x128xi32, #tpu.memory_space<vmem>>, vector<1x16xi32>,
    %swap3A_14 = vector.shape_cast %swap3A_13 : vector<1x16xi32> to vector<16xi32>
    %swap3A_15 = vector.shape_cast %add3A_10 : vector<16xi32> to vector<1x16xi32>
    tpu.vector_store %arg7[%swap3A_11, %swap3A_12], %swap3A_15 {strides = array<i32>} : memref<4x128xi32, #tpu.memory_space<vmem>>, vector<1x16xi32>,
    %mul3A_16 = arith.constant 512 : i32
    %mul3A_17 = arith.muli %arg1, %mul3A_16 : i32
    %add3A_18 = arith.constant 0 : i32
    %add3A_19 = arith.addi %mul3A_17, %add3A_18 : i32
    %add3A_20 = arith.constant 16 : i32
    %add3A_21 = arith.addi %add3A_19, %add3A_20 : i32
    %add3A_22 = vector.broadcast %add3A_21 : i32 to vector<16xi32>
    %add3A_23 = arith.addi %iota3A, %add3A_22 : vector<16xi32>
    %swap3A_24 = arith.constant 0 : i32
    %swap3A_25 = arith.index_cast %swap3A_24 : i32 to index
    %swap3A_26 = arith.constant 16 : index
    %swap3A_27 = tpu.vector_load %arg7[%swap3A_25, %swap3A_26] {strides = array<i32>} : memref<4x128xi32, #tpu.memory_space<vmem>>, vector<1x16xi32>,
    %swap3A_28 = vector.shape_cast %swap3A_27 : vector<1x16xi32> to vector<16xi32>
    %swap3A_29 = vector.shape_cast %add3A_23 : vector<16xi32> to vector<1x16xi32>
    tpu.vector_store %arg7[%swap3A_25, %swap3A_26], %swap3A_29 {strides = array<i32>} : memref<4x128xi32, #tpu.memory_space<vmem>>, vector<1x16xi32>,
    %mul3A_30 = arith.constant 512 : i32
    %mul3A_31 = arith.muli %arg1, %mul3A_30 : i32
    %add3A_32 = arith.constant 0 : i32
    %add3A_33 = arith.addi %mul3A_31, %add3A_32 : i32
    %add3A_34 = arith.constant 32 : i32
    %add3A_35 = arith.addi %add3A_33, %add3A_34 : i32
    %add3A_36 = vector.broadcast %add3A_35 : i32 to vector<16xi32>
    %add3A_37 = arith.addi %iota3A, %add3A_36 : vector<16xi32>
    %swap3A_38 = arith.constant 0 : i32
    %swap3A_39 = arith.index_cast %swap3A_38 : i32 to index
    %swap3A_40 = arith.constant 32 : index
    %swap3A_41 = tpu.vector_load %arg7[%swap3A_39, %swap3A_40] {strides = array<i32>} : memref<4x128xi32, #tpu.memory_space<vmem>>, vector<1x16xi32>,
    %swap3A_42 = vector.shape_cast %swap3A_41 : vector<1x16xi32> to vector<16xi32>
    %swap3A_43 = vector.shape_cast %add3A_37 : vector<16xi32> to vector<1x16xi32>
    tpu.vector_store %arg7[%swap3A_39, %swap3A_40], %swap3A_43 {strides = array<i32>} : memref<4x128xi32, #tpu.memory_space<vmem>>, vector<1x16xi32>,
    %mul3A_44 = arith.constant 512 : i32
    %mul3A_45 = arith.muli %arg1, %mul3A_44 : i32
    %add3A_46 = arith.constant 0 : i32
    %add3A_47 = arith.addi %mul3A_45, %add3A_46 : i32
    %add3A_48 = arith.constant 48 : i32
    %add3A_49 = arith.addi %add3A_47, %add3A_48 : i32
    %add3A_50 = vector.broadcast %add3A_49 : i32 to vector<16xi32>
    %add3A_51 = arith.addi %iota3A, %add3A_50 : vector<16xi32>
    %swap3A_52 = arith.constant 0 : i32
    %swap3A_53 = arith.index_cast %swap3A_52 : i32 to index
    %swap3A_54 = arith.constant 48 : index
    %swap3A_55 = tpu.vector_load %arg7[%swap3A_53, %swap3A_54] {strides = array<i32>} : memref<4x128xi32, #tpu.memory_space<vmem>>, vector<1x16xi32>,
    %swap3A_56 = vector.shape_cast %swap3A_55 : vector<1x16xi32> to vector<16xi32>
    %swap3A_57 = vector.shape_cast %add3A_51 : vector<16xi32> to vector<1x16xi32>
    tpu.vector_store %arg7[%swap3A_53, %swap3A_54], %swap3A_57 {strides = array<i32>} : memref<4x128xi32, #tpu.memory_space<vmem>>, vector<1x16xi32>,
    %mul3A_58 = arith.constant 512 : i32
    %mul3A_59 = arith.muli %arg1, %mul3A_58 : i32
    %add3A_60 = arith.constant 0 : i32
    %add3A_61 = arith.addi %mul3A_59, %add3A_60 : i32
    %add3A_62 = arith.constant 64 : i32
    %add3A_63 = arith.addi %add3A_61, %add3A_62 : i32
    %add3A_64 = vector.broadcast %add3A_63 : i32 to vector<16xi32>
    %add3A_65 = arith.addi %iota3A, %add3A_64 : vector<16xi32>
    %swap3A_66 = arith.constant 0 : i32
    %swap3A_67 = arith.index_cast %swap3A_66 : i32 to index
    %swap3A_68 = arith.constant 64 : index
    %swap3A_69 = tpu.vector_load %arg7[%swap3A_67, %swap3A_68] {strides = array<i32>} : memref<4x128xi32, #tpu.memory_space<vmem>>, vector<1x16xi32>,
    %swap3A_70 = vector.shape_cast %swap3A_69 : vector<1x16xi32> to vector<16xi32>
    %swap3A_71 = vector.shape_cast %add3A_65 : vector<16xi32> to vector<1x16xi32>
    tpu.vector_store %arg7[%swap3A_67, %swap3A_68], %swap3A_71 {strides = array<i32>} : memref<4x128xi32, #tpu.memory_space<vmem>>, vector<1x16xi32>,
    %mul3A_72 = arith.constant 512 : i32
    %mul3A_73 = arith.muli %arg1, %mul3A_72 : i32
    %add3A_74 = arith.constant 0 : i32
    %add3A_75 = arith.addi %mul3A_73, %add3A_74 : i32
    %add3A_76 = arith.constant 80 : i32
    %add3A_77 = arith.addi %add3A_75, %add3A_76 : i32
    %add3A_78 = vector.broadcast %add3A_77 : i32 to vector<16xi32>
    %add3A_79 = arith.addi %iota3A, %add3A_78 : vector<16xi32>
    %swap3A_80 = arith.constant 0 : i32
    %swap3A_81 = arith.index_cast %swap3A_80 : i32 to index
    %swap3A_82 = arith.constant 80 : index
    %swap3A_83 = tpu.vector_load %arg7[%swap3A_81, %swap3A_82] {strides = array<i32>} : memref<4x128xi32, #tpu.memory_space<vmem>>, vector<1x16xi32>,
    %swap3A_84 = vector.shape_cast %swap3A_83 : vector<1x16xi32> to vector<16xi32>
    %swap3A_85 = vector.shape_cast %add3A_79 : vector<16xi32> to vector<1x16xi32>
    tpu.vector_store %arg7[%swap3A_81, %swap3A_82], %swap3A_85 {strides = array<i32>} : memref<4x128xi32, #tpu.memory_space<vmem>>, vector<1x16xi32>,
    %mul3A_86 = arith.constant 512 : i32
    %mul3A_87 = arith.muli %arg1, %mul3A_86 : i32
    %add3A_88 = arith.constant 0 : i32
    %add3A_89 = arith.addi %mul3A_87, %add3A_88 : i32
    %add3A_90 = arith.constant 96 : i32
    %add3A_91 = arith.addi %add3A_89, %add3A_90 : i32
    %add3A_92 = vector.broadcast %add3A_91 : i32 to vector<16xi32>
    %add3A_93 = arith.addi %iota3A, %add3A_92 : vector<16xi32>
    %swap3A_94 = arith.constant 0 : i32
    %swap3A_95 = arith.index_cast %swap3A_94 : i32 to index
    %swap3A_96 = arith.constant 96 : index
    %swap3A_97 = tpu.vector_load %arg7[%swap3A_95, %swap3A_96] {strides = array<i32>} : memref<4x128xi32, #tpu.memory_space<vmem>>, vector<1x16xi32>,
    %swap3A_98 = vector.shape_cast %swap3A_97 : vector<1x16xi32> to vector<16xi32>
    %swap3A_99 = vector.shape_cast %add3A_93 : vector<16xi32> to vector<1x16xi32>
    tpu.vector_store %arg7[%swap3A_95, %swap3A_96], %swap3A_99 {strides = array<i32>} : memref<4x128xi32, #tpu.memory_space<vmem>>, vector<1x16xi32>,
    %mul3A_100 = arith.constant 512 : i32
    %mul3A_101 = arith.muli %arg1, %mul3A_100 : i32
    %add3A_102 = arith.constant 0 : i32
    %add3A_103 = arith.addi %mul3A_101, %add3A_102 : i32
    %add3A_104 = arith.constant 112 : i32
    %add3A_105 = arith.addi %add3A_103, %add3A_104 : i32
    %add3A_106 = vector.broadcast %add3A_105 : i32 to vector<16xi32>
    %add3A_107 = arith.addi %iota3A, %add3A_106 : vector<16xi32>
    %swap3A_108 = arith.constant 0 : i32
    %swap3A_109 = arith.index_cast %swap3A_108 : i32 to index
    %swap3A_110 = arith.constant 112 : index
    %swap3A_111 = tpu.vector_load %arg7[%swap3A_109, %swap3A_110] {strides = array<i32>} : memref<4x128xi32, #tpu.memory_space<vmem>>, vector<1x16xi32>,
    %swap3A_112 = vector.shape_cast %swap3A_111 : vector<1x16xi32> to vector<16xi32>
    %swap3A_113 = vector.shape_cast %add3A_107 : vector<16xi32> to vector<1x16xi32>
    tpu.vector_store %arg7[%swap3A_109, %swap3A_110], %swap3A_113 {strides = array<i32>} : memref<4x128xi32, #tpu.memory_space<vmem>>, vector<1x16xi32>,
    %mul3A_114 = arith.constant 512 : i32
    %mul3A_115 = arith.muli %arg1, %mul3A_114 : i32
    %add3A_116 = arith.constant 128 : i32
    %add3A_117 = arith.addi %mul3A_115, %add3A_116 : i32
    %add3A_118 = arith.constant 0 : i32
    %add3A_119 = arith.addi %add3A_117, %add3A_118 : i32
    %add3A_120 = vector.broadcast %add3A_119 : i32 to vector<16xi32>
    %add3A_121 = arith.addi %iota3A, %add3A_120 : vector<16xi32>
    %swap3A_122 = arith.constant 1 : i32
    %swap3A_123 = arith.index_cast %swap3A_122 : i32 to index
    %swap3A_124 = arith.constant 0 : index
    %swap3A_125 = tpu.vector_load %arg7[%swap3A_123, %swap3A_124] {strides = array<i32>} : memref<4x128xi32, #tpu.memory_space<vmem>>, vector<1x16xi32>,
    %swap3A_126 = vector.shape_cast %swap3A_125 : vector<1x16xi32> to vector<16xi32>
    %swap3A_127 = vector.shape_cast %add3A_121 : vector<16xi32> to vector<1x16xi32>
    tpu.vector_store %arg7[%swap3A_123, %swap3A_124], %swap3A_127 {strides = array<i32>} : memref<4x128xi32, #tpu.memory_space<vmem>>, vector<1x16xi32>,
    %mul3A_128 = arith.constant 512 : i32
    %mul3A_129 = arith.muli %arg1, %mul3A_128 : i32
    %add3A_130 = arith.constant 128 : i32
    %add3A_131 = arith.addi %mul3A_129, %add3A_130 : i32
    %add3A_132 = arith.constant 16 : i32
    %add3A_133 = arith.addi %add3A_131, %add3A_132 : i32
    %add3A_134 = vector.broadcast %add3A_133 : i32 to vector<16xi32>
    %add3A_135 = arith.addi %iota3A, %add3A_134 : vector<16xi32>
    %swap3A_136 = arith.constant 1 : i32
    %swap3A_137 = arith.index_cast %swap3A_136 : i32 to index
    %swap3A_138 = arith.constant 16 : index
    %swap3A_139 = tpu.vector_load %arg7[%swap3A_137, %swap3A_138] {strides = array<i32>} : memref<4x128xi32, #tpu.memory_space<vmem>>, vector<1x16xi32>,
    %swap3A_140 = vector.shape_cast %swap3A_139 : vector<1x16xi32> to vector<16xi32>
    %swap3A_141 = vector.shape_cast %add3A_135 : vector<16xi32> to vector<1x16xi32>
    tpu.vector_store %arg7[%swap3A_137, %swap3A_138], %swap3A_141 {strides = array<i32>} : memref<4x128xi32, #tpu.memory_space<vmem>>, vector<1x16xi32>,
    %mul3A_142 = arith.constant 512 : i32
    %mul3A_143 = arith.muli %arg1, %mul3A_142 : i32
    %add3A_144 = arith.constant 128 : i32
    %add3A_145 = arith.addi %mul3A_143, %add3A_144 : i32
    %add3A_146 = arith.constant 32 : i32
    %add3A_147 = arith.addi %add3A_145, %add3A_146 : i32
    %add3A_148 = vector.broadcast %add3A_147 : i32 to vector<16xi32>
    %add3A_149 = arith.addi %iota3A, %add3A_148 : vector<16xi32>
    %swap3A_150 = arith.constant 1 : i32
    %swap3A_151 = arith.index_cast %swap3A_150 : i32 to index
    %swap3A_152 = arith.constant 32 : index
    %swap3A_153 = tpu.vector_load %arg7[%swap3A_151, %swap3A_152] {strides = array<i32>} : memref<4x128xi32, #tpu.memory_space<vmem>>, vector<1x16xi32>,
    %swap3A_154 = vector.shape_cast %swap3A_153 : vector<1x16xi32> to vector<16xi32>
    %swap3A_155 = vector.shape_cast %add3A_149 : vector<16xi32> to vector<1x16xi32>
    tpu.vector_store %arg7[%swap3A_151, %swap3A_152], %swap3A_155 {strides = array<i32>} : memref<4x128xi32, #tpu.memory_space<vmem>>, vector<1x16xi32>,
    %mul3A_156 = arith.constant 512 : i32
    %mul3A_157 = arith.muli %arg1, %mul3A_156 : i32
    %add3A_158 = arith.constant 128 : i32
    %add3A_159 = arith.addi %mul3A_157, %add3A_158 : i32
    %add3A_160 = arith.constant 48 : i32
    %add3A_161 = arith.addi %add3A_159, %add3A_160 : i32
    %add3A_162 = vector.broadcast %add3A_161 : i32 to vector<16xi32>
    %add3A_163 = arith.addi %iota3A, %add3A_162 : vector<16xi32>
    %swap3A_164 = arith.constant 1 : i32
    %swap3A_165 = arith.index_cast %swap3A_164 : i32 to index
    %swap3A_166 = arith.constant 48 : index
    %swap3A_167 = tpu.vector_load %arg7[%swap3A_165, %swap3A_166] {strides = array<i32>} : memref<4x128xi32, #tpu.memory_space<vmem>>, vector<1x16xi32>,
    %swap3A_168 = vector.shape_cast %swap3A_167 : vector<1x16xi32> to vector<16xi32>
    %swap3A_169 = vector.shape_cast %add3A_163 : vector<16xi32> to vector<1x16xi32>
    tpu.vector_store %arg7[%swap3A_165, %swap3A_166], %swap3A_169 {strides = array<i32>} : memref<4x128xi32, #tpu.memory_space<vmem>>, vector<1x16xi32>,
    %mul3A_170 = arith.constant 512 : i32
    %mul3A_171 = arith.muli %arg1, %mul3A_170 : i32
    %add3A_172 = arith.constant 128 : i32
    %add3A_173 = arith.addi %mul3A_171, %add3A_172 : i32
    %add3A_174 = arith.constant 64 : i32
    %add3A_175 = arith.addi %add3A_173, %add3A_174 : i32
    %add3A_176 = vector.broadcast %add3A_175 : i32 to vector<16xi32>
    %add3A_177 = arith.addi %iota3A, %add3A_176 : vector<16xi32>
    %swap3A_178 = arith.constant 1 : i32
    %swap3A_179 = arith.index_cast %swap3A_178 : i32 to index
    %swap3A_180 = arith.constant 64 : index
    %swap3A_181 = tpu.vector_load %arg7[%swap3A_179, %swap3A_180] {strides = array<i32>} : memref<4x128xi32, #tpu.memory_space<vmem>>, vector<1x16xi32>,
    %swap3A_182 = vector.shape_cast %swap3A_181 : vector<1x16xi32> to vector<16xi32>
    %swap3A_183 = vector.shape_cast %add3A_177 : vector<16xi32> to vector<1x16xi32>
    tpu.vector_store %arg7[%swap3A_179, %swap3A_180], %swap3A_183 {strides = array<i32>} : memref<4x128xi32, #tpu.memory_space<vmem>>, vector<1x16xi32>,
    %mul3A_184 = arith.constant 512 : i32
    %mul3A_185 = arith.muli %arg1, %mul3A_184 : i32
    %add3A_186 = arith.constant 128 : i32
    %add3A_187 = arith.addi %mul3A_185, %add3A_186 : i32
    %add3A_188 = arith.constant 80 : i32
    %add3A_189 = arith.addi %add3A_187, %add3A_188 : i32
    %add3A_190 = vector.broadcast %add3A_189 : i32 to vector<16xi32>
    %add3A_191 = arith.addi %iota3A, %add3A_190 : vector<16xi32>
    %swap3A_192 = arith.constant 1 : i32
    %swap3A_193 = arith.index_cast %swap3A_192 : i32 to index
    %swap3A_194 = arith.constant 80 : index
    %swap3A_195 = tpu.vector_load %arg7[%swap3A_193, %swap3A_194] {strides = array<i32>} : memref<4x128xi32, #tpu.memory_space<vmem>>, vector<1x16xi32>,
    %swap3A_196 = vector.shape_cast %swap3A_195 : vector<1x16xi32> to vector<16xi32>
    %swap3A_197 = vector.shape_cast %add3A_191 : vector<16xi32> to vector<1x16xi32>
    tpu.vector_store %arg7[%swap3A_193, %swap3A_194], %swap3A_197 {strides = array<i32>} : memref<4x128xi32, #tpu.memory_space<vmem>>, vector<1x16xi32>,
    %mul3A_198 = arith.constant 512 : i32
    %mul3A_199 = arith.muli %arg1, %mul3A_198 : i32
    %add3A_200 = arith.constant 128 : i32
    %add3A_201 = arith.addi %mul3A_199, %add3A_200 : i32
    %add3A_202 = arith.constant 96 : i32
    %add3A_203 = arith.addi %add3A_201, %add3A_202 : i32
    %add3A_204 = vector.broadcast %add3A_203 : i32 to vector<16xi32>
    %add3A_205 = arith.addi %iota3A, %add3A_204 : vector<16xi32>
    %swap3A_206 = arith.constant 1 : i32
    %swap3A_207 = arith.index_cast %swap3A_206 : i32 to index
    %swap3A_208 = arith.constant 96 : index
    %swap3A_209 = tpu.vector_load %arg7[%swap3A_207, %swap3A_208] {strides = array<i32>} : memref<4x128xi32, #tpu.memory_space<vmem>>, vector<1x16xi32>,
    %swap3A_210 = vector.shape_cast %swap3A_209 : vector<1x16xi32> to vector<16xi32>
    %swap3A_211 = vector.shape_cast %add3A_205 : vector<16xi32> to vector<1x16xi32>
    tpu.vector_store %arg7[%swap3A_207, %swap3A_208], %swap3A_211 {strides = array<i32>} : memref<4x128xi32, #tpu.memory_space<vmem>>, vector<1x16xi32>,
    %mul3A_212 = arith.constant 512 : i32
    %mul3A_213 = arith.muli %arg1, %mul3A_212 : i32
    %add3A_214 = arith.constant 128 : i32
    %add3A_215 = arith.addi %mul3A_213, %add3A_214 : i32
    %add3A_216 = arith.constant 112 : i32
    %add3A_217 = arith.addi %add3A_215, %add3A_216 : i32
    %add3A_218 = vector.broadcast %add3A_217 : i32 to vector<16xi32>
    %add3A_219 = arith.addi %iota3A, %add3A_218 : vector<16xi32>
    %swap3A_220 = arith.constant 1 : i32
    %swap3A_221 = arith.index_cast %swap3A_220 : i32 to index
    %swap3A_222 = arith.constant 112 : index
    %swap3A_223 = tpu.vector_load %arg7[%swap3A_221, %swap3A_222] {strides = array<i32>} : memref<4x128xi32, #tpu.memory_space<vmem>>, vector<1x16xi32>,
    %swap3A_224 = vector.shape_cast %swap3A_223 : vector<1x16xi32> to vector<16xi32>
    %swap3A_225 = vector.shape_cast %add3A_219 : vector<16xi32> to vector<1x16xi32>
    tpu.vector_store %arg7[%swap3A_221, %swap3A_222], %swap3A_225 {strides = array<i32>} : memref<4x128xi32, #tpu.memory_space<vmem>>, vector<1x16xi32>,
    %mul3A_226 = arith.constant 512 : i32
    %mul3A_227 = arith.muli %arg1, %mul3A_226 : i32
    %add3A_228 = arith.constant 256 : i32
    %add3A_229 = arith.addi %mul3A_227, %add3A_228 : i32
    %add3A_230 = arith.constant 0 : i32
    %add3A_231 = arith.addi %add3A_229, %add3A_230 : i32
    %add3A_232 = vector.broadcast %add3A_231 : i32 to vector<16xi32>
    %add3A_233 = arith.addi %iota3A, %add3A_232 : vector<16xi32>
    %swap3A_234 = arith.constant 2 : i32
    %swap3A_235 = arith.index_cast %swap3A_234 : i32 to index
    %swap3A_236 = arith.constant 0 : index
    %swap3A_237 = tpu.vector_load %arg7[%swap3A_235, %swap3A_236] {strides = array<i32>} : memref<4x128xi32, #tpu.memory_space<vmem>>, vector<1x16xi32>,
    %swap3A_238 = vector.shape_cast %swap3A_237 : vector<1x16xi32> to vector<16xi32>
    %swap3A_239 = vector.shape_cast %add3A_233 : vector<16xi32> to vector<1x16xi32>
    tpu.vector_store %arg7[%swap3A_235, %swap3A_236], %swap3A_239 {strides = array<i32>} : memref<4x128xi32, #tpu.memory_space<vmem>>, vector<1x16xi32>,
    %mul3A_240 = arith.constant 512 : i32
    %mul3A_241 = arith.muli %arg1, %mul3A_240 : i32
    %add3A_242 = arith.constant 256 : i32
    %add3A_243 = arith.addi %mul3A_241, %add3A_242 : i32
    %add3A_244 = arith.constant 16 : i32
    %add3A_245 = arith.addi %add3A_243, %add3A_244 : i32
    %add3A_246 = vector.broadcast %add3A_245 : i32 to vector<16xi32>
    %add3A_247 = arith.addi %iota3A, %add3A_246 : vector<16xi32>
    %swap3A_248 = arith.constant 2 : i32
    %swap3A_249 = arith.index_cast %swap3A_248 : i32 to index
    %swap3A_250 = arith.constant 16 : index
    %swap3A_251 = tpu.vector_load %arg7[%swap3A_249, %swap3A_250] {strides = array<i32>} : memref<4x128xi32, #tpu.memory_space<vmem>>, vector<1x16xi32>,
    %swap3A_252 = vector.shape_cast %swap3A_251 : vector<1x16xi32> to vector<16xi32>
    %swap3A_253 = vector.shape_cast %add3A_247 : vector<16xi32> to vector<1x16xi32>
    tpu.vector_store %arg7[%swap3A_249, %swap3A_250], %swap3A_253 {strides = array<i32>} : memref<4x128xi32, #tpu.memory_space<vmem>>, vector<1x16xi32>,
    %mul3A_254 = arith.constant 512 : i32
    %mul3A_255 = arith.muli %arg1, %mul3A_254 : i32
    %add3A_256 = arith.constant 256 : i32
    %add3A_257 = arith.addi %mul3A_255, %add3A_256 : i32
    %add3A_258 = arith.constant 32 : i32
    %add3A_259 = arith.addi %add3A_257, %add3A_258 : i32
    %add3A_260 = vector.broadcast %add3A_259 : i32 to vector<16xi32>
    %add3A_261 = arith.addi %iota3A, %add3A_260 : vector<16xi32>
    %swap3A_262 = arith.constant 2 : i32
    %swap3A_263 = arith.index_cast %swap3A_262 : i32 to index
    %swap3A_264 = arith.constant 32 : index
    %swap3A_265 = tpu.vector_load %arg7[%swap3A_263, %swap3A_264] {strides = array<i32>} : memref<4x128xi32, #tpu.memory_space<vmem>>, vector<1x16xi32>,
    %swap3A_266 = vector.shape_cast %swap3A_265 : vector<1x16xi32> to vector<16xi32>
    %swap3A_267 = vector.shape_cast %add3A_261 : vector<16xi32> to vector<1x16xi32>
    tpu.vector_store %arg7[%swap3A_263, %swap3A_264], %swap3A_267 {strides = array<i32>} : memref<4x128xi32, #tpu.memory_space<vmem>>, vector<1x16xi32>,
    %mul3A_268 = arith.constant 512 : i32
    %mul3A_269 = arith.muli %arg1, %mul3A_268 : i32
    %add3A_270 = arith.constant 256 : i32
    %add3A_271 = arith.addi %mul3A_269, %add3A_270 : i32
    %add3A_272 = arith.constant 48 : i32
    %add3A_273 = arith.addi %add3A_271, %add3A_272 : i32
    %add3A_274 = vector.broadcast %add3A_273 : i32 to vector<16xi32>
    %add3A_275 = arith.addi %iota3A, %add3A_274 : vector<16xi32>
    %swap3A_276 = arith.constant 2 : i32
    %swap3A_277 = arith.index_cast %swap3A_276 : i32 to index
    %swap3A_278 = arith.constant 48 : index
    %swap3A_279 = tpu.vector_load %arg7[%swap3A_277, %swap3A_278] {strides = array<i32>} : memref<4x128xi32, #tpu.memory_space<vmem>>, vector<1x16xi32>,
    %swap3A_280 = vector.shape_cast %swap3A_279 : vector<1x16xi32> to vector<16xi32>
    %swap3A_281 = vector.shape_cast %add3A_275 : vector<16xi32> to vector<1x16xi32>
    tpu.vector_store %arg7[%swap3A_277, %swap3A_278], %swap3A_281 {strides = array<i32>} : memref<4x128xi32, #tpu.memory_space<vmem>>, vector<1x16xi32>,
    %mul3A_282 = arith.constant 512 : i32
    %mul3A_283 = arith.muli %arg1, %mul3A_282 : i32
    %add3A_284 = arith.constant 256 : i32
    %add3A_285 = arith.addi %mul3A_283, %add3A_284 : i32
    %add3A_286 = arith.constant 64 : i32
    %add3A_287 = arith.addi %add3A_285, %add3A_286 : i32
    %add3A_288 = vector.broadcast %add3A_287 : i32 to vector<16xi32>
    %add3A_289 = arith.addi %iota3A, %add3A_288 : vector<16xi32>
    %swap3A_290 = arith.constant 2 : i32
    %swap3A_291 = arith.index_cast %swap3A_290 : i32 to index
    %swap3A_292 = arith.constant 64 : index
    %swap3A_293 = tpu.vector_load %arg7[%swap3A_291, %swap3A_292] {strides = array<i32>} : memref<4x128xi32, #tpu.memory_space<vmem>>, vector<1x16xi32>,
    %swap3A_294 = vector.shape_cast %swap3A_293 : vector<1x16xi32> to vector<16xi32>
    %swap3A_295 = vector.shape_cast %add3A_289 : vector<16xi32> to vector<1x16xi32>
    tpu.vector_store %arg7[%swap3A_291, %swap3A_292], %swap3A_295 {strides = array<i32>} : memref<4x128xi32, #tpu.memory_space<vmem>>, vector<1x16xi32>,
    %mul3A_296 = arith.constant 512 : i32
    %mul3A_297 = arith.muli %arg1, %mul3A_296 : i32
    %add3A_298 = arith.constant 256 : i32
    %add3A_299 = arith.addi %mul3A_297, %add3A_298 : i32
    %add3A_300 = arith.constant 80 : i32
    %add3A_301 = arith.addi %add3A_299, %add3A_300 : i32
    %add3A_302 = vector.broadcast %add3A_301 : i32 to vector<16xi32>
    %add3A_303 = arith.addi %iota3A, %add3A_302 : vector<16xi32>
    %swap3A_304 = arith.constant 2 : i32
    %swap3A_305 = arith.index_cast %swap3A_304 : i32 to index
    %swap3A_306 = arith.constant 80 : index
    %swap3A_307 = tpu.vector_load %arg7[%swap3A_305, %swap3A_306] {strides = array<i32>} : memref<4x128xi32, #tpu.memory_space<vmem>>, vector<1x16xi32>,
    %swap3A_308 = vector.shape_cast %swap3A_307 : vector<1x16xi32> to vector<16xi32>
    %swap3A_309 = vector.shape_cast %add3A_303 : vector<16xi32> to vector<1x16xi32>
    tpu.vector_store %arg7[%swap3A_305, %swap3A_306], %swap3A_309 {strides = array<i32>} : memref<4x128xi32, #tpu.memory_space<vmem>>, vector<1x16xi32>,
    %mul3A_310 = arith.constant 512 : i32
    %mul3A_311 = arith.muli %arg1, %mul3A_310 : i32
    %add3A_312 = arith.constant 256 : i32
    %add3A_313 = arith.addi %mul3A_311, %add3A_312 : i32
    %add3A_314 = arith.constant 96 : i32
    %add3A_315 = arith.addi %add3A_313, %add3A_314 : i32
    %add3A_316 = vector.broadcast %add3A_315 : i32 to vector<16xi32>
    %add3A_317 = arith.addi %iota3A, %add3A_316 : vector<16xi32>
    %swap3A_318 = arith.constant 2 : i32
    %swap3A_319 = arith.index_cast %swap3A_318 : i32 to index
    %swap3A_320 = arith.constant 96 : index
    %swap3A_321 = tpu.vector_load %arg7[%swap3A_319, %swap3A_320] {strides = array<i32>} : memref<4x128xi32, #tpu.memory_space<vmem>>, vector<1x16xi32>,
    %swap3A_322 = vector.shape_cast %swap3A_321 : vector<1x16xi32> to vector<16xi32>
    %swap3A_323 = vector.shape_cast %add3A_317 : vector<16xi32> to vector<1x16xi32>
    tpu.vector_store %arg7[%swap3A_319, %swap3A_320], %swap3A_323 {strides = array<i32>} : memref<4x128xi32, #tpu.memory_space<vmem>>, vector<1x16xi32>,
    %mul3A_324 = arith.constant 512 : i32
    %mul3A_325 = arith.muli %arg1, %mul3A_324 : i32
    %add3A_326 = arith.constant 256 : i32
    %add3A_327 = arith.addi %mul3A_325, %add3A_326 : i32
    %add3A_328 = arith.constant 112 : i32
    %add3A_329 = arith.addi %add3A_327, %add3A_328 : i32
    %add3A_330 = vector.broadcast %add3A_329 : i32 to vector<16xi32>
    %add3A_331 = arith.addi %iota3A, %add3A_330 : vector<16xi32>
    %swap3A_332 = arith.constant 2 : i32
    %swap3A_333 = arith.index_cast %swap3A_332 : i32 to index
    %swap3A_334 = arith.constant 112 : index
    %swap3A_335 = tpu.vector_load %arg7[%swap3A_333, %swap3A_334] {strides = array<i32>} : memref<4x128xi32, #tpu.memory_space<vmem>>, vector<1x16xi32>,
    %swap3A_336 = vector.shape_cast %swap3A_335 : vector<1x16xi32> to vector<16xi32>
    %swap3A_337 = vector.shape_cast %add3A_331 : vector<16xi32> to vector<1x16xi32>
    tpu.vector_store %arg7[%swap3A_333, %swap3A_334], %swap3A_337 {strides = array<i32>} : memref<4x128xi32, #tpu.memory_space<vmem>>, vector<1x16xi32>,
    %mul3A_338 = arith.constant 512 : i32
    %mul3A_339 = arith.muli %arg1, %mul3A_338 : i32
    %add3A_340 = arith.constant 384 : i32
    %add3A_341 = arith.addi %mul3A_339, %add3A_340 : i32
    %add3A_342 = arith.constant 0 : i32
    %add3A_343 = arith.addi %add3A_341, %add3A_342 : i32
    %add3A_344 = vector.broadcast %add3A_343 : i32 to vector<16xi32>
    %add3A_345 = arith.addi %iota3A, %add3A_344 : vector<16xi32>
    %swap3A_346 = arith.constant 3 : i32
    %swap3A_347 = arith.index_cast %swap3A_346 : i32 to index
    %swap3A_348 = arith.constant 0 : index
    %swap3A_349 = tpu.vector_load %arg7[%swap3A_347, %swap3A_348] {strides = array<i32>} : memref<4x128xi32, #tpu.memory_space<vmem>>, vector<1x16xi32>,
    %swap3A_350 = vector.shape_cast %swap3A_349 : vector<1x16xi32> to vector<16xi32>
    %swap3A_351 = vector.shape_cast %add3A_345 : vector<16xi32> to vector<1x16xi32>
    tpu.vector_store %arg7[%swap3A_347, %swap3A_348], %swap3A_351 {strides = array<i32>} : memref<4x128xi32, #tpu.memory_space<vmem>>, vector<1x16xi32>,
    %mul3A_352 = arith.constant 512 : i32
    %mul3A_353 = arith.muli %arg1, %mul3A_352 : i32
    %add3A_354 = arith.constant 384 : i32
    %add3A_355 = arith.addi %mul3A_353, %add3A_354 : i32
    %add3A_356 = arith.constant 16 : i32
    %add3A_357 = arith.addi %add3A_355, %add3A_356 : i32
    %add3A_358 = vector.broadcast %add3A_357 : i32 to vector<16xi32>
    %add3A_359 = arith.addi %iota3A, %add3A_358 : vector<16xi32>
    %swap3A_360 = arith.constant 3 : i32
    %swap3A_361 = arith.index_cast %swap3A_360 : i32 to index
    %swap3A_362 = arith.constant 16 : index
    %swap3A_363 = tpu.vector_load %arg7[%swap3A_361, %swap3A_362] {strides = array<i32>} : memref<4x128xi32, #tpu.memory_space<vmem>>, vector<1x16xi32>,
    %swap3A_364 = vector.shape_cast %swap3A_363 : vector<1x16xi32> to vector<16xi32>
    %swap3A_365 = vector.shape_cast %add3A_359 : vector<16xi32> to vector<1x16xi32>
    tpu.vector_store %arg7[%swap3A_361, %swap3A_362], %swap3A_365 {strides = array<i32>} : memref<4x128xi32, #tpu.memory_space<vmem>>, vector<1x16xi32>,
    %mul3A_366 = arith.constant 512 : i32
    %mul3A_367 = arith.muli %arg1, %mul3A_366 : i32
    %add3A_368 = arith.constant 384 : i32
    %add3A_369 = arith.addi %mul3A_367, %add3A_368 : i32
    %add3A_370 = arith.constant 32 : i32
    %add3A_371 = arith.addi %add3A_369, %add3A_370 : i32
    %add3A_372 = vector.broadcast %add3A_371 : i32 to vector<16xi32>
    %add3A_373 = arith.addi %iota3A, %add3A_372 : vector<16xi32>
    %swap3A_374 = arith.constant 3 : i32
    %swap3A_375 = arith.index_cast %swap3A_374 : i32 to index
    %swap3A_376 = arith.constant 32 : index
    %swap3A_377 = tpu.vector_load %arg7[%swap3A_375, %swap3A_376] {strides = array<i32>} : memref<4x128xi32, #tpu.memory_space<vmem>>, vector<1x16xi32>,
    %swap3A_378 = vector.shape_cast %swap3A_377 : vector<1x16xi32> to vector<16xi32>
    %swap3A_379 = vector.shape_cast %add3A_373 : vector<16xi32> to vector<1x16xi32>
    tpu.vector_store %arg7[%swap3A_375, %swap3A_376], %swap3A_379 {strides = array<i32>} : memref<4x128xi32, #tpu.memory_space<vmem>>, vector<1x16xi32>,
    %mul3A_380 = arith.constant 512 : i32
    %mul3A_381 = arith.muli %arg1, %mul3A_380 : i32
    %add3A_382 = arith.constant 384 : i32
    %add3A_383 = arith.addi %mul3A_381, %add3A_382 : i32
    %add3A_384 = arith.constant 48 : i32
    %add3A_385 = arith.addi %add3A_383, %add3A_384 : i32
    %add3A_386 = vector.broadcast %add3A_385 : i32 to vector<16xi32>
    %add3A_387 = arith.addi %iota3A, %add3A_386 : vector<16xi32>
    %swap3A_388 = arith.constant 3 : i32
    %swap3A_389 = arith.index_cast %swap3A_388 : i32 to index
    %swap3A_390 = arith.constant 48 : index
    %swap3A_391 = tpu.vector_load %arg7[%swap3A_389, %swap3A_390] {strides = array<i32>} : memref<4x128xi32, #tpu.memory_space<vmem>>, vector<1x16xi32>,
    %swap3A_392 = vector.shape_cast %swap3A_391 : vector<1x16xi32> to vector<16xi32>
    %swap3A_393 = vector.shape_cast %add3A_387 : vector<16xi32> to vector<1x16xi32>
    tpu.vector_store %arg7[%swap3A_389, %swap3A_390], %swap3A_393 {strides = array<i32>} : memref<4x128xi32, #tpu.memory_space<vmem>>, vector<1x16xi32>,
    %mul3A_394 = arith.constant 512 : i32
    %mul3A_395 = arith.muli %arg1, %mul3A_394 : i32
    %add3A_396 = arith.constant 384 : i32
    %add3A_397 = arith.addi %mul3A_395, %add3A_396 : i32
    %add3A_398 = arith.constant 64 : i32
    %add3A_399 = arith.addi %add3A_397, %add3A_398 : i32
    %add3A_400 = vector.broadcast %add3A_399 : i32 to vector<16xi32>
    %add3A_401 = arith.addi %iota3A, %add3A_400 : vector<16xi32>
    %swap3A_402 = arith.constant 3 : i32
    %swap3A_403 = arith.index_cast %swap3A_402 : i32 to index
    %swap3A_404 = arith.constant 64 : index
    %swap3A_405 = tpu.vector_load %arg7[%swap3A_403, %swap3A_404] {strides = array<i32>} : memref<4x128xi32, #tpu.memory_space<vmem>>, vector<1x16xi32>,
    %swap3A_406 = vector.shape_cast %swap3A_405 : vector<1x16xi32> to vector<16xi32>
    %swap3A_407 = vector.shape_cast %add3A_401 : vector<16xi32> to vector<1x16xi32>
    tpu.vector_store %arg7[%swap3A_403, %swap3A_404], %swap3A_407 {strides = array<i32>} : memref<4x128xi32, #tpu.memory_space<vmem>>, vector<1x16xi32>,
    %mul3A_408 = arith.constant 512 : i32
    %mul3A_409 = arith.muli %arg1, %mul3A_408 : i32
    %add3A_410 = arith.constant 384 : i32
    %add3A_411 = arith.addi %mul3A_409, %add3A_410 : i32
    %add3A_412 = arith.constant 80 : i32
    %add3A_413 = arith.addi %add3A_411, %add3A_412 : i32
    %add3A_414 = vector.broadcast %add3A_413 : i32 to vector<16xi32>
    %add3A_415 = arith.addi %iota3A, %add3A_414 : vector<16xi32>
    %swap3A_416 = arith.constant 3 : i32
    %swap3A_417 = arith.index_cast %swap3A_416 : i32 to index
    %swap3A_418 = arith.constant 80 : index
    %swap3A_419 = tpu.vector_load %arg7[%swap3A_417, %swap3A_418] {strides = array<i32>} : memref<4x128xi32, #tpu.memory_space<vmem>>, vector<1x16xi32>,
    %swap3A_420 = vector.shape_cast %swap3A_419 : vector<1x16xi32> to vector<16xi32>
    %swap3A_421 = vector.shape_cast %add3A_415 : vector<16xi32> to vector<1x16xi32>
    tpu.vector_store %arg7[%swap3A_417, %swap3A_418], %swap3A_421 {strides = array<i32>} : memref<4x128xi32, #tpu.memory_space<vmem>>, vector<1x16xi32>,
    %mul3A_422 = arith.constant 512 : i32
    %mul3A_423 = arith.muli %arg1, %mul3A_422 : i32
    %add3A_424 = arith.constant 384 : i32
    %add3A_425 = arith.addi %mul3A_423, %add3A_424 : i32
    %add3A_426 = arith.constant 96 : i32
    %add3A_427 = arith.addi %add3A_425, %add3A_426 : i32
    %add3A_428 = vector.broadcast %add3A_427 : i32 to vector<16xi32>
    %add3A_429 = arith.addi %iota3A, %add3A_428 : vector<16xi32>
    %swap3A_430 = arith.constant 3 : i32
    %swap3A_431 = arith.index_cast %swap3A_430 : i32 to index
    %swap3A_432 = arith.constant 96 : index
    %swap3A_433 = tpu.vector_load %arg7[%swap3A_431, %swap3A_432] {strides = array<i32>} : memref<4x128xi32, #tpu.memory_space<vmem>>, vector<1x16xi32>,
    %swap3A_434 = vector.shape_cast %swap3A_433 : vector<1x16xi32> to vector<16xi32>
    %swap3A_435 = vector.shape_cast %add3A_429 : vector<16xi32> to vector<1x16xi32>
    tpu.vector_store %arg7[%swap3A_431, %swap3A_432], %swap3A_435 {strides = array<i32>} : memref<4x128xi32, #tpu.memory_space<vmem>>, vector<1x16xi32>,
    %mul3A_436 = arith.constant 512 : i32
    %mul3A_437 = arith.muli %arg1, %mul3A_436 : i32
    %add3A_438 = arith.constant 384 : i32
    %add3A_439 = arith.addi %mul3A_437, %add3A_438 : i32
    %add3A_440 = arith.constant 112 : i32
    %add3A_441 = arith.addi %add3A_439, %add3A_440 : i32
    %add3A_442 = vector.broadcast %add3A_441 : i32 to vector<16xi32>
    %add3A_443 = arith.addi %iota3A, %add3A_442 : vector<16xi32>
    %swap3A_444 = arith.constant 3 : i32
    %swap3A_445 = arith.index_cast %swap3A_444 : i32 to index
    %swap3A_446 = arith.constant 112 : index
    %swap3A_447 = tpu.vector_load %arg7[%swap3A_445, %swap3A_446] {strides = array<i32>} : memref<4x128xi32, #tpu.memory_space<vmem>>, vector<1x16xi32>,
    %swap3A_448 = vector.shape_cast %swap3A_447 : vector<1x16xi32> to vector<16xi32>
    %swap3A_449 = vector.shape_cast %add3A_443 : vector<16xi32> to vector<1x16xi32>
    tpu.vector_store %arg7[%swap3A_445, %swap3A_446], %swap3A_449 {strides = array<i32>} : memref<4x128xi32, #tpu.memory_space<vmem>>, vector<1x16xi32>,
    %scan3A = arith.constant 0 : i32
    %scan3A_450 = arith.constant 0 : i32
    %scan3A_451 = arith.constant 26 : i32
    %scan3A_452 = arith.addi %scan3A_450, %scan3A_451 : i32
    %scan3A_453 = arith.constant 1 : i32
    %scan3A_454 = scf.for %scan3A_478 = %scan3A_450 to %scan3A_452 step %scan3A_453 iter_args(%scan3A_479 = %scan3A) -> (i32)  : i32 {
      %mul3A_480 = arith.constant 100000 : i32
      %mul3A_481 = arith.muli %scan3A_478, %mul3A_480 : i32
      %get3A = arith.index_cast %scan3A_478 : i32 to index
      %get3A_482 = arith.constant 0 : index
      %get3A_483 = tpu.vector_load %arg5[%get3A, %get3A_482] {strides = array<i32>} : memref<26x512xi32, #tpu.memory_space<vmem>>, vector<1x16xi32>,
      %get3A_484 = vector.shape_cast %get3A_483 : vector<1x16xi32> to vector<16xi32>
      %add3A_485 = vector.broadcast %mul3A_481 : i32 to vector<16xi32>
      %add3A_486 = arith.addi %get3A_484, %add3A_485 : vector<16xi32>
      %swap3A_487 = arith.index_cast %scan3A_478 : i32 to index
      %swap3A_488 = arith.constant 0 : index
      %swap3A_489 = tpu.vector_load %arg5[%swap3A_487, %swap3A_488] {strides = array<i32>} : memref<26x512xi32, #tpu.memory_space<vmem>>, vector<1x16xi32>,
      %swap3A_490 = vector.shape_cast %swap3A_489 : vector<1x16xi32> to vector<16xi32>
      %swap3A_491 = vector.shape_cast %add3A_486 : vector<16xi32> to vector<1x16xi32>
      tpu.vector_store %arg5[%swap3A_487, %swap3A_488], %swap3A_491 {strides = array<i32>} : memref<26x512xi32, #tpu.memory_space<vmem>>, vector<1x16xi32>,
      %get3A_492 = arith.index_cast %scan3A_478 : i32 to index
      %get3A_493 = arith.constant 16 : index
      %get3A_494 = tpu.vector_load %arg5[%get3A_492, %get3A_493] {strides = array<i32>} : memref<26x512xi32, #tpu.memory_space<vmem>>, vector<1x16xi32>,
      %get3A_495 = vector.shape_cast %get3A_494 : vector<1x16xi32> to vector<16xi32>
      %add3A_496 = vector.broadcast %mul3A_481 : i32 to vector<16xi32>
      %add3A_497 = arith.addi %get3A_495, %add3A_496 : vector<16xi32>
      %swap3A_498 = arith.index_cast %scan3A_478 : i32 to index
      %swap3A_499 = arith.constant 16 : index
      %swap3A_500 = tpu.vector_load %arg5[%swap3A_498, %swap3A_499] {strides = array<i32>} : memref<26x512xi32, #tpu.memory_space<vmem>>, vector<1x16xi32>,
      %swap3A_501 = vector.shape_cast %swap3A_500 : vector<1x16xi32> to vector<16xi32>
      %swap3A_502 = vector.shape_cast %add3A_497 : vector<16xi32> to vector<1x16xi32>
      tpu.vector_store %arg5[%swap3A_498, %swap3A_499], %swap3A_502 {strides = array<i32>} : memref<26x512xi32, #tpu.memory_space<vmem>>, vector<1x16xi32>,
      %get3A_503 = arith.index_cast %scan3A_478 : i32 to index
      %get3A_504 = arith.constant 32 : index
      %get3A_505 = tpu.vector_load %arg5[%get3A_503, %get3A_504] {strides = array<i32>} : memref<26x512xi32, #tpu.memory_space<vmem>>, vector<1x16xi32>,
      %get3A_506 = vector.shape_cast %get3A_505 : vector<1x16xi32> to vector<16xi32>
      %add3A_507 = vector.broadcast %mul3A_481 : i32 to vector<16xi32>
      %add3A_508 = arith.addi %get3A_506, %add3A_507 : vector<16xi32>
      %swap3A_509 = arith.index_cast %scan3A_478 : i32 to index
      %swap3A_510 = arith.constant 32 : index
      %swap3A_511 = tpu.vector_load %arg5[%swap3A_509, %swap3A_510] {strides = array<i32>} : memref<26x512xi32, #tpu.memory_space<vmem>>, vector<1x16xi32>,
      %swap3A_512 = vector.shape_cast %swap3A_511 : vector<1x16xi32> to vector<16xi32>
      %swap3A_513 = vector.shape_cast %add3A_508 : vector<16xi32> to vector<1x16xi32>
      tpu.vector_store %arg5[%swap3A_509, %swap3A_510], %swap3A_513 {strides = array<i32>} : memref<26x512xi32, #tpu.memory_space<vmem>>, vector<1x16xi32>,
      %get3A_514 = arith.index_cast %scan3A_478 : i32 to index
      %get3A_515 = arith.constant 48 : index
      %get3A_516 = tpu.vector_load %arg5[%get3A_514, %get3A_515] {strides = array<i32>} : memref<26x512xi32, #tpu.memory_space<vmem>>, vector<1x16xi32>,
      %get3A_517 = vector.shape_cast %get3A_516 : vector<1x16xi32> to vector<16xi32>
      %add3A_518 = vector.broadcast %mul3A_481 : i32 to vector<16xi32>
      %add3A_519 = arith.addi %get3A_517, %add3A_518 : vector<16xi32>
      %swap3A_520 = arith.index_cast %scan3A_478 : i32 to index
      %swap3A_521 = arith.constant 48 : index
      %swap3A_522 = tpu.vector_load %arg5[%swap3A_520, %swap3A_521] {strides = array<i32>} : memref<26x512xi32, #tpu.memory_space<vmem>>, vector<1x16xi32>,
      %swap3A_523 = vector.shape_cast %swap3A_522 : vector<1x16xi32> to vector<16xi32>
      %swap3A_524 = vector.shape_cast %add3A_519 : vector<16xi32> to vector<1x16xi32>
      tpu.vector_store %arg5[%swap3A_520, %swap3A_521], %swap3A_524 {strides = array<i32>} : memref<26x512xi32, #tpu.memory_space<vmem>>, vector<1x16xi32>,
      %get3A_525 = arith.index_cast %scan3A_478 : i32 to index
      %get3A_526 = arith.constant 64 : index
      %get3A_527 = tpu.vector_load %arg5[%get3A_525, %get3A_526] {strides = array<i32>} : memref<26x512xi32, #tpu.memory_space<vmem>>, vector<1x16xi32>,
      %get3A_528 = vector.shape_cast %get3A_527 : vector<1x16xi32> to vector<16xi32>
      %add3A_529 = vector.broadcast %mul3A_481 : i32 to vector<16xi32>
      %add3A_530 = arith.addi %get3A_528, %add3A_529 : vector<16xi32>
      %swap3A_531 = arith.index_cast %scan3A_478 : i32 to index
      %swap3A_532 = arith.constant 64 : index
      %swap3A_533 = tpu.vector_load %arg5[%swap3A_531, %swap3A_532] {strides = array<i32>} : memref<26x512xi32, #tpu.memory_space<vmem>>, vector<1x16xi32>,
      %swap3A_534 = vector.shape_cast %swap3A_533 : vector<1x16xi32> to vector<16xi32>
      %swap3A_535 = vector.shape_cast %add3A_530 : vector<16xi32> to vector<1x16xi32>
      tpu.vector_store %arg5[%swap3A_531, %swap3A_532], %swap3A_535 {strides = array<i32>} : memref<26x512xi32, #tpu.memory_space<vmem>>, vector<1x16xi32>,
      %get3A_536 = arith.index_cast %scan3A_478 : i32 to index
      %get3A_537 = arith.constant 80 : index
      %get3A_538 = tpu.vector_load %arg5[%get3A_536, %get3A_537] {strides = array<i32>} : memref<26x512xi32, #tpu.memory_space<vmem>>, vector<1x16xi32>,
      %get3A_539 = vector.shape_cast %get3A_538 : vector<1x16xi32> to vector<16xi32>
      %add3A_540 = vector.broadcast %mul3A_481 : i32 to vector<16xi32>
      %add3A_541 = arith.addi %get3A_539, %add3A_540 : vector<16xi32>
      %swap3A_542 = arith.index_cast %scan3A_478 : i32 to index
      %swap3A_543 = arith.constant 80 : index
      %swap3A_544 = tpu.vector_load %arg5[%swap3A_542, %swap3A_543] {strides = array<i32>} : memref<26x512xi32, #tpu.memory_space<vmem>>, vector<1x16xi32>,
      %swap3A_545 = vector.shape_cast %swap3A_544 : vector<1x16xi32> to vector<16xi32>
      %swap3A_546 = vector.shape_cast %add3A_541 : vector<16xi32> to vector<1x16xi32>
      tpu.vector_store %arg5[%swap3A_542, %swap3A_543], %swap3A_546 {strides = array<i32>} : memref<26x512xi32, #tpu.memory_space<vmem>>, vector<1x16xi32>,
      %get3A_547 = arith.index_cast %scan3A_478 : i32 to index
      %get3A_548 = arith.constant 96 : index
      %get3A_549 = tpu.vector_load %arg5[%get3A_547, %get3A_548] {strides = array<i32>} : memref<26x512xi32, #tpu.memory_space<vmem>>, vector<1x16xi32>,
      %get3A_550 = vector.shape_cast %get3A_549 : vector<1x16xi32> to vector<16xi32>
      %add3A_551 = vector.broadcast %mul3A_481 : i32 to vector<16xi32>
      %add3A_552 = arith.addi %get3A_550, %add3A_551 : vector<16xi32>
      %swap3A_553 = arith.index_cast %scan3A_478 : i32 to index
      %swap3A_554 = arith.constant 96 : index
      %swap3A_555 = tpu.vector_load %arg5[%swap3A_553, %swap3A_554] {strides = array<i32>} : memref<26x512xi32, #tpu.memory_space<vmem>>, vector<1x16xi32>,
      %swap3A_556 = vector.shape_cast %swap3A_555 : vector<1x16xi32> to vector<16xi32>
      %swap3A_557 = vector.shape_cast %add3A_552 : vector<16xi32> to vector<1x16xi32>
      tpu.vector_store %arg5[%swap3A_553, %swap3A_554], %swap3A_557 {strides = array<i32>} : memref<26x512xi32, #tpu.memory_space<vmem>>, vector<1x16xi32>,
      %get3A_558 = arith.index_cast %scan3A_478 : i32 to index
      %get3A_559 = arith.constant 112 : index
      %get3A_560 = tpu.vector_load %arg5[%get3A_558, %get3A_559] {strides = array<i32>} : memref<26x512xi32, #tpu.memory_space<vmem>>, vector<1x16xi32>,
      %get3A_561 = vector.shape_cast %get3A_560 : vector<1x16xi32> to vector<16xi32>
      %add3A_562 = vector.broadcast %mul3A_481 : i32 to vector<16xi32>
      %add3A_563 = arith.addi %get3A_561, %add3A_562 : vector<16xi32>
      %swap3A_564 = arith.index_cast %scan3A_478 : i32 to index
      %swap3A_565 = arith.constant 112 : index
      %swap3A_566 = tpu.vector_load %arg5[%swap3A_564, %swap3A_565] {strides = array<i32>} : memref<26x512xi32, #tpu.memory_space<vmem>>, vector<1x16xi32>,
      %swap3A_567 = vector.shape_cast %swap3A_566 : vector<1x16xi32> to vector<16xi32>
      %swap3A_568 = vector.shape_cast %add3A_563 : vector<16xi32> to vector<1x16xi32>
      tpu.vector_store %arg5[%swap3A_564, %swap3A_565], %swap3A_568 {strides = array<i32>} : memref<26x512xi32, #tpu.memory_space<vmem>>, vector<1x16xi32>,
      %get3A_569 = arith.index_cast %scan3A_478 : i32 to index
      %get3A_570 = arith.constant 128 : index
      %get3A_571 = tpu.vector_load %arg5[%get3A_569, %get3A_570] {strides = array<i32>} : memref<26x512xi32, #tpu.memory_space<vmem>>, vector<1x16xi32>,
      %get3A_572 = vector.shape_cast %get3A_571 : vector<1x16xi32> to vector<16xi32>
      %add3A_573 = vector.broadcast %mul3A_481 : i32 to vector<16xi32>
      %add3A_574 = arith.addi %get3A_572, %add3A_573 : vector<16xi32>
      %swap3A_575 = arith.index_cast %scan3A_478 : i32 to index
      %swap3A_576 = arith.constant 128 : index
      %swap3A_577 = tpu.vector_load %arg5[%swap3A_575, %swap3A_576] {strides = array<i32>} : memref<26x512xi32, #tpu.memory_space<vmem>>, vector<1x16xi32>,
      %swap3A_578 = vector.shape_cast %swap3A_577 : vector<1x16xi32> to vector<16xi32>
      %swap3A_579 = vector.shape_cast %add3A_574 : vector<16xi32> to vector<1x16xi32>
      tpu.vector_store %arg5[%swap3A_575, %swap3A_576], %swap3A_579 {strides = array<i32>} : memref<26x512xi32, #tpu.memory_space<vmem>>, vector<1x16xi32>,
      %get3A_580 = arith.index_cast %scan3A_478 : i32 to index
      %get3A_581 = arith.constant 144 : index
      %get3A_582 = tpu.vector_load %arg5[%get3A_580, %get3A_581] {strides = array<i32>} : memref<26x512xi32, #tpu.memory_space<vmem>>, vector<1x16xi32>,
      %get3A_583 = vector.shape_cast %get3A_582 : vector<1x16xi32> to vector<16xi32>
      %add3A_584 = vector.broadcast %mul3A_481 : i32 to vector<16xi32>
      %add3A_585 = arith.addi %get3A_583, %add3A_584 : vector<16xi32>
      %swap3A_586 = arith.index_cast %scan3A_478 : i32 to index
      %swap3A_587 = arith.constant 144 : index
      %swap3A_588 = tpu.vector_load %arg5[%swap3A_586, %swap3A_587] {strides = array<i32>} : memref<26x512xi32, #tpu.memory_space<vmem>>, vector<1x16xi32>,
      %swap3A_589 = vector.shape_cast %swap3A_588 : vector<1x16xi32> to vector<16xi32>
      %swap3A_590 = vector.shape_cast %add3A_585 : vector<16xi32> to vector<1x16xi32>
      tpu.vector_store %arg5[%swap3A_586, %swap3A_587], %swap3A_590 {strides = array<i32>} : memref<26x512xi32, #tpu.memory_space<vmem>>, vector<1x16xi32>,
      %get3A_591 = arith.index_cast %scan3A_478 : i32 to index
      %get3A_592 = arith.constant 160 : index
      %get3A_593 = tpu.vector_load %arg5[%get3A_591, %get3A_592] {strides = array<i32>} : memref<26x512xi32, #tpu.memory_space<vmem>>, vector<1x16xi32>,
      %get3A_594 = vector.shape_cast %get3A_593 : vector<1x16xi32> to vector<16xi32>
      %add3A_595 = vector.broadcast %mul3A_481 : i32 to vector<16xi32>
      %add3A_596 = arith.addi %get3A_594, %add3A_595 : vector<16xi32>
      %swap3A_597 = arith.index_cast %scan3A_478 : i32 to index
      %swap3A_598 = arith.constant 160 : index
      %swap3A_599 = tpu.vector_load %arg5[%swap3A_597, %swap3A_598] {strides = array<i32>} : memref<26x512xi32, #tpu.memory_space<vmem>>, vector<1x16xi32>,
      %swap3A_600 = vector.shape_cast %swap3A_599 : vector<1x16xi32> to vector<16xi32>
      %swap3A_601 = vector.shape_cast %add3A_596 : vector<16xi32> to vector<1x16xi32>
      tpu.vector_store %arg5[%swap3A_597, %swap3A_598], %swap3A_601 {strides = array<i32>} : memref<26x512xi32, #tpu.memory_space<vmem>>, vector<1x16xi32>,
      %get3A_602 = arith.index_cast %scan3A_478 : i32 to index
      %get3A_603 = arith.constant 176 : index
      %get3A_604 = tpu.vector_load %arg5[%get3A_602, %get3A_603] {strides = array<i32>} : memref<26x512xi32, #tpu.memory_space<vmem>>, vector<1x16xi32>,
      %get3A_605 = vector.shape_cast %get3A_604 : vector<1x16xi32> to vector<16xi32>
      %add3A_606 = vector.broadcast %mul3A_481 : i32 to vector<16xi32>
      %add3A_607 = arith.addi %get3A_605, %add3A_606 : vector<16xi32>
      %swap3A_608 = arith.index_cast %scan3A_478 : i32 to index
      %swap3A_609 = arith.constant 176 : index
      %swap3A_610 = tpu.vector_load %arg5[%swap3A_608, %swap3A_609] {strides = array<i32>} : memref<26x512xi32, #tpu.memory_space<vmem>>, vector<1x16xi32>,
      %swap3A_611 = vector.shape_cast %swap3A_610 : vector<1x16xi32> to vector<16xi32>
      %swap3A_612 = vector.shape_cast %add3A_607 : vector<16xi32> to vector<1x16xi32>
      tpu.vector_store %arg5[%swap3A_608, %swap3A_609], %swap3A_612 {strides = array<i32>} : memref<26x512xi32, #tpu.memory_space<vmem>>, vector<1x16xi32>,
      %get3A_613 = arith.index_cast %scan3A_478 : i32 to index
      %get3A_614 = arith.constant 192 : index
      %get3A_615 = tpu.vector_load %arg5[%get3A_613, %get3A_614] {strides = array<i32>} : memref<26x512xi32, #tpu.memory_space<vmem>>, vector<1x16xi32>,
      %get3A_616 = vector.shape_cast %get3A_615 : vector<1x16xi32> to vector<16xi32>
      %add3A_617 = vector.broadcast %mul3A_481 : i32 to vector<16xi32>
      %add3A_618 = arith.addi %get3A_616, %add3A_617 : vector<16xi32>
      %swap3A_619 = arith.index_cast %scan3A_478 : i32 to index
      %swap3A_620 = arith.constant 192 : index
      %swap3A_621 = tpu.vector_load %arg5[%swap3A_619, %swap3A_620] {strides = array<i32>} : memref<26x512xi32, #tpu.memory_space<vmem>>, vector<1x16xi32>,
      %swap3A_622 = vector.shape_cast %swap3A_621 : vector<1x16xi32> to vector<16xi32>
      %swap3A_623 = vector.shape_cast %add3A_618 : vector<16xi32> to vector<1x16xi32>
      tpu.vector_store %arg5[%swap3A_619, %swap3A_620], %swap3A_623 {strides = array<i32>} : memref<26x512xi32, #tpu.memory_space<vmem>>, vector<1x16xi32>,
      %get3A_624 = arith.index_cast %scan3A_478 : i32 to index
      %get3A_625 = arith.constant 208 : index
      %get3A_626 = tpu.vector_load %arg5[%get3A_624, %get3A_625] {strides = array<i32>} : memref<26x512xi32, #tpu.memory_space<vmem>>, vector<1x16xi32>,
      %get3A_627 = vector.shape_cast %get3A_626 : vector<1x16xi32> to vector<16xi32>
      %add3A_628 = vector.broadcast %mul3A_481 : i32 to vector<16xi32>
      %add3A_629 = arith.addi %get3A_627, %add3A_628 : vector<16xi32>
      %swap3A_630 = arith.index_cast %scan3A_478 : i32 to index
      %swap3A_631 = arith.constant 208 : index
      %swap3A_632 = tpu.vector_load %arg5[%swap3A_630, %swap3A_631] {strides = array<i32>} : memref<26x512xi32, #tpu.memory_space<vmem>>, vector<1x16xi32>,
      %swap3A_633 = vector.shape_cast %swap3A_632 : vector<1x16xi32> to vector<16xi32>
      %swap3A_634 = vector.shape_cast %add3A_629 : vector<16xi32> to vector<1x16xi32>
      tpu.vector_store %arg5[%swap3A_630, %swap3A_631], %swap3A_634 {strides = array<i32>} : memref<26x512xi32, #tpu.memory_space<vmem>>, vector<1x16xi32>,
      %get3A_635 = arith.index_cast %scan3A_478 : i32 to index
      %get3A_636 = arith.constant 224 : index
      %get3A_637 = tpu.vector_load %arg5[%get3A_635, %get3A_636] {strides = array<i32>} : memref<26x512xi32, #tpu.memory_space<vmem>>, vector<1x16xi32>,
      %get3A_638 = vector.shape_cast %get3A_637 : vector<1x16xi32> to vector<16xi32>
      %add3A_639 = vector.broadcast %mul3A_481 : i32 to vector<16xi32>
      %add3A_640 = arith.addi %get3A_638, %add3A_639 : vector<16xi32>
      %swap3A_641 = arith.index_cast %scan3A_478 : i32 to index
      %swap3A_642 = arith.constant 224 : index
      %swap3A_643 = tpu.vector_load %arg5[%swap3A_641, %swap3A_642] {strides = array<i32>} : memref<26x512xi32, #tpu.memory_space<vmem>>, vector<1x16xi32>,
      %swap3A_644 = vector.shape_cast %swap3A_643 : vector<1x16xi32> to vector<16xi32>
      %swap3A_645 = vector.shape_cast %add3A_640 : vector<16xi32> to vector<1x16xi32>
      tpu.vector_store %arg5[%swap3A_641, %swap3A_642], %swap3A_645 {strides = array<i32>} : memref<26x512xi32, #tpu.memory_space<vmem>>, vector<1x16xi32>,
      %get3A_646 = arith.index_cast %scan3A_478 : i32 to index
      %get3A_647 = arith.constant 240 : index
      %get3A_648 = tpu.vector_load %arg5[%get3A_646, %get3A_647] {strides = array<i32>} : memref<26x512xi32, #tpu.memory_space<vmem>>, vector<1x16xi32>,
      %get3A_649 = vector.shape_cast %get3A_648 : vector<1x16xi32> to vector<16xi32>
      %add3A_650 = vector.broadcast %mul3A_481 : i32 to vector<16xi32>
      %add3A_651 = arith.addi %get3A_649, %add3A_650 : vector<16xi32>
      %swap3A_652 = arith.index_cast %scan3A_478 : i32 to index
      %swap3A_653 = arith.constant 240 : index
      %swap3A_654 = tpu.vector_load %arg5[%swap3A_652, %swap3A_653] {strides = array<i32>} : memref<26x512xi32, #tpu.memory_space<vmem>>, vector<1x16xi32>,
      %swap3A_655 = vector.shape_cast %swap3A_654 : vector<1x16xi32> to vector<16xi32>
      %swap3A_656 = vector.shape_cast %add3A_651 : vector<16xi32> to vector<1x16xi32>
      tpu.vector_store %arg5[%swap3A_652, %swap3A_653], %swap3A_656 {strides = array<i32>} : memref<26x512xi32, #tpu.memory_space<vmem>>, vector<1x16xi32>,
      %get3A_657 = arith.index_cast %scan3A_478 : i32 to index
      %get3A_658 = arith.constant 256 : index
      %get3A_659 = tpu.vector_load %arg5[%get3A_657, %get3A_658] {strides = array<i32>} : memref<26x512xi32, #tpu.memory_space<vmem>>, vector<1x16xi32>,
      %get3A_660 = vector.shape_cast %get3A_659 : vector<1x16xi32> to vector<16xi32>
      %add3A_661 = vector.broadcast %mul3A_481 : i32 to vector<16xi32>
      %add3A_662 = arith.addi %get3A_660, %add3A_661 : vector<16xi32>
      %swap3A_663 = arith.index_cast %scan3A_478 : i32 to index
      %swap3A_664 = arith.constant 256 : index
      %swap3A_665 = tpu.vector_load %arg5[%swap3A_663, %swap3A_664] {strides = array<i32>} : memref<26x512xi32, #tpu.memory_space<vmem>>, vector<1x16xi32>,
      %swap3A_666 = vector.shape_cast %swap3A_665 : vector<1x16xi32> to vector<16xi32>
      %swap3A_667 = vector.shape_cast %add3A_662 : vector<16xi32> to vector<1x16xi32>
      tpu.vector_store %arg5[%swap3A_663, %swap3A_664], %swap3A_667 {strides = array<i32>} : memref<26x512xi32, #tpu.memory_space<vmem>>, vector<1x16xi32>,
      %get3A_668 = arith.index_cast %scan3A_478 : i32 to index
      %get3A_669 = arith.constant 272 : index
      %get3A_670 = tpu.vector_load %arg5[%get3A_668, %get3A_669] {strides = array<i32>} : memref<26x512xi32, #tpu.memory_space<vmem>>, vector<1x16xi32>,
      %get3A_671 = vector.shape_cast %get3A_670 : vector<1x16xi32> to vector<16xi32>
      %add3A_672 = vector.broadcast %mul3A_481 : i32 to vector<16xi32>
      %add3A_673 = arith.addi %get3A_671, %add3A_672 : vector<16xi32>
      %swap3A_674 = arith.index_cast %scan3A_478 : i32 to index
      %swap3A_675 = arith.constant 272 : index
      %swap3A_676 = tpu.vector_load %arg5[%swap3A_674, %swap3A_675] {strides = array<i32>} : memref<26x512xi32, #tpu.memory_space<vmem>>, vector<1x16xi32>,
      %swap3A_677 = vector.shape_cast %swap3A_676 : vector<1x16xi32> to vector<16xi32>
      %swap3A_678 = vector.shape_cast %add3A_673 : vector<16xi32> to vector<1x16xi32>
      tpu.vector_store %arg5[%swap3A_674, %swap3A_675], %swap3A_678 {strides = array<i32>} : memref<26x512xi32, #tpu.memory_space<vmem>>, vector<1x16xi32>,
      %get3A_679 = arith.index_cast %scan3A_478 : i32 to index
      %get3A_680 = arith.constant 288 : index
      %get3A_681 = tpu.vector_load %arg5[%get3A_679, %get3A_680] {strides = array<i32>} : memref<26x512xi32, #tpu.memory_space<vmem>>, vector<1x16xi32>,
      %get3A_682 = vector.shape_cast %get3A_681 : vector<1x16xi32> to vector<16xi32>
      %add3A_683 = vector.broadcast %mul3A_481 : i32 to vector<16xi32>
      %add3A_684 = arith.addi %get3A_682, %add3A_683 : vector<16xi32>
      %swap3A_685 = arith.index_cast %scan3A_478 : i32 to index
      %swap3A_686 = arith.constant 288 : index
      %swap3A_687 = tpu.vector_load %arg5[%swap3A_685, %swap3A_686] {strides = array<i32>} : memref<26x512xi32, #tpu.memory_space<vmem>>, vector<1x16xi32>,
      %swap3A_688 = vector.shape_cast %swap3A_687 : vector<1x16xi32> to vector<16xi32>
      %swap3A_689 = vector.shape_cast %add3A_684 : vector<16xi32> to vector<1x16xi32>
      tpu.vector_store %arg5[%swap3A_685, %swap3A_686], %swap3A_689 {strides = array<i32>} : memref<26x512xi32, #tpu.memory_space<vmem>>, vector<1x16xi32>,
      %get3A_690 = arith.index_cast %scan3A_478 : i32 to index
      %get3A_691 = arith.constant 304 : index
      %get3A_692 = tpu.vector_load %arg5[%get3A_690, %get3A_691] {strides = array<i32>} : memref<26x512xi32, #tpu.memory_space<vmem>>, vector<1x16xi32>,
      %get3A_693 = vector.shape_cast %get3A_692 : vector<1x16xi32> to vector<16xi32>
      %add3A_694 = vector.broadcast %mul3A_481 : i32 to vector<16xi32>
      %add3A_695 = arith.addi %get3A_693, %add3A_694 : vector<16xi32>
      %swap3A_696 = arith.index_cast %scan3A_478 : i32 to index
      %swap3A_697 = arith.constant 304 : index
      %swap3A_698 = tpu.vector_load %arg5[%swap3A_696, %swap3A_697] {strides = array<i32>} : memref<26x512xi32, #tpu.memory_space<vmem>>, vector<1x16xi32>,
      %swap3A_699 = vector.shape_cast %swap3A_698 : vector<1x16xi32> to vector<16xi32>
      %swap3A_700 = vector.shape_cast %add3A_695 : vector<16xi32> to vector<1x16xi32>
      tpu.vector_store %arg5[%swap3A_696, %swap3A_697], %swap3A_700 {strides = array<i32>} : memref<26x512xi32, #tpu.memory_space<vmem>>, vector<1x16xi32>,
      %get3A_701 = arith.index_cast %scan3A_478 : i32 to index
      %get3A_702 = arith.constant 320 : index
      %get3A_703 = tpu.vector_load %arg5[%get3A_701, %get3A_702] {strides = array<i32>} : memref<26x512xi32, #tpu.memory_space<vmem>>, vector<1x16xi32>,
      %get3A_704 = vector.shape_cast %get3A_703 : vector<1x16xi32> to vector<16xi32>
      %add3A_705 = vector.broadcast %mul3A_481 : i32 to vector<16xi32>
      %add3A_706 = arith.addi %get3A_704, %add3A_705 : vector<16xi32>
      %swap3A_707 = arith.index_cast %scan3A_478 : i32 to index
      %swap3A_708 = arith.constant 320 : index
      %swap3A_709 = tpu.vector_load %arg5[%swap3A_707, %swap3A_708] {strides = array<i32>} : memref<26x512xi32, #tpu.memory_space<vmem>>, vector<1x16xi32>,
      %swap3A_710 = vector.shape_cast %swap3A_709 : vector<1x16xi32> to vector<16xi32>
      %swap3A_711 = vector.shape_cast %add3A_706 : vector<16xi32> to vector<1x16xi32>
      tpu.vector_store %arg5[%swap3A_707, %swap3A_708], %swap3A_711 {strides = array<i32>} : memref<26x512xi32, #tpu.memory_space<vmem>>, vector<1x16xi32>,
      %get3A_712 = arith.index_cast %scan3A_478 : i32 to index
      %get3A_713 = arith.constant 336 : index
      %get3A_714 = tpu.vector_load %arg5[%get3A_712, %get3A_713] {strides = array<i32>} : memref<26x512xi32, #tpu.memory_space<vmem>>, vector<1x16xi32>,
      %get3A_715 = vector.shape_cast %get3A_714 : vector<1x16xi32> to vector<16xi32>
      %add3A_716 = vector.broadcast %mul3A_481 : i32 to vector<16xi32>
      %add3A_717 = arith.addi %get3A_715, %add3A_716 : vector<16xi32>
      %swap3A_718 = arith.index_cast %scan3A_478 : i32 to index
      %swap3A_719 = arith.constant 336 : index
      %swap3A_720 = tpu.vector_load %arg5[%swap3A_718, %swap3A_719] {strides = array<i32>} : memref<26x512xi32, #tpu.memory_space<vmem>>, vector<1x16xi32>,
      %swap3A_721 = vector.shape_cast %swap3A_720 : vector<1x16xi32> to vector<16xi32>
      %swap3A_722 = vector.shape_cast %add3A_717 : vector<16xi32> to vector<1x16xi32>
      tpu.vector_store %arg5[%swap3A_718, %swap3A_719], %swap3A_722 {strides = array<i32>} : memref<26x512xi32, #tpu.memory_space<vmem>>, vector<1x16xi32>,
      %get3A_723 = arith.index_cast %scan3A_478 : i32 to index
      %get3A_724 = arith.constant 352 : index
      %get3A_725 = tpu.vector_load %arg5[%get3A_723, %get3A_724] {strides = array<i32>} : memref<26x512xi32, #tpu.memory_space<vmem>>, vector<1x16xi32>,
      %get3A_726 = vector.shape_cast %get3A_725 : vector<1x16xi32> to vector<16xi32>
      %add3A_727 = vector.broadcast %mul3A_481 : i32 to vector<16xi32>
      %add3A_728 = arith.addi %get3A_726, %add3A_727 : vector<16xi32>
      %swap3A_729 = arith.index_cast %scan3A_478 : i32 to index
      %swap3A_730 = arith.constant 352 : index
      %swap3A_731 = tpu.vector_load %arg5[%swap3A_729, %swap3A_730] {strides = array<i32>} : memref<26x512xi32, #tpu.memory_space<vmem>>, vector<1x16xi32>,
      %swap3A_732 = vector.shape_cast %swap3A_731 : vector<1x16xi32> to vector<16xi32>
      %swap3A_733 = vector.shape_cast %add3A_728 : vector<16xi32> to vector<1x16xi32>
      tpu.vector_store %arg5[%swap3A_729, %swap3A_730], %swap3A_733 {strides = array<i32>} : memref<26x512xi32, #tpu.memory_space<vmem>>, vector<1x16xi32>,
      %get3A_734 = arith.index_cast %scan3A_478 : i32 to index
      %get3A_735 = arith.constant 368 : index
      %get3A_736 = tpu.vector_load %arg5[%get3A_734, %get3A_735] {strides = array<i32>} : memref<26x512xi32, #tpu.memory_space<vmem>>, vector<1x16xi32>,
      %get3A_737 = vector.shape_cast %get3A_736 : vector<1x16xi32> to vector<16xi32>
      %add3A_738 = vector.broadcast %mul3A_481 : i32 to vector<16xi32>
      %add3A_739 = arith.addi %get3A_737, %add3A_738 : vector<16xi32>
      %swap3A_740 = arith.index_cast %scan3A_478 : i32 to index
      %swap3A_741 = arith.constant 368 : index
      %swap3A_742 = tpu.vector_load %arg5[%swap3A_740, %swap3A_741] {strides = array<i32>} : memref<26x512xi32, #tpu.memory_space<vmem>>, vector<1x16xi32>,
      %swap3A_743 = vector.shape_cast %swap3A_742 : vector<1x16xi32> to vector<16xi32>
      %swap3A_744 = vector.shape_cast %add3A_739 : vector<16xi32> to vector<1x16xi32>
      tpu.vector_store %arg5[%swap3A_740, %swap3A_741], %swap3A_744 {strides = array<i32>} : memref<26x512xi32, #tpu.memory_space<vmem>>, vector<1x16xi32>,
      %get3A_745 = arith.index_cast %scan3A_478 : i32 to index
      %get3A_746 = arith.constant 384 : index
      %get3A_747 = tpu.vector_load %arg5[%get3A_745, %get3A_746] {strides = array<i32>} : memref<26x512xi32, #tpu.memory_space<vmem>>, vector<1x16xi32>,
      %get3A_748 = vector.shape_cast %get3A_747 : vector<1x16xi32> to vector<16xi32>
      %add3A_749 = vector.broadcast %mul3A_481 : i32 to vector<16xi32>
      %add3A_750 = arith.addi %get3A_748, %add3A_749 : vector<16xi32>
      %swap3A_751 = arith.index_cast %scan3A_478 : i32 to index
      %swap3A_752 = arith.constant 384 : index
      %swap3A_753 = tpu.vector_load %arg5[%swap3A_751, %swap3A_752] {strides = array<i32>} : memref<26x512xi32, #tpu.memory_space<vmem>>, vector<1x16xi32>,
      %swap3A_754 = vector.shape_cast %swap3A_753 : vector<1x16xi32> to vector<16xi32>
      %swap3A_755 = vector.shape_cast %add3A_750 : vector<16xi32> to vector<1x16xi32>
      tpu.vector_store %arg5[%swap3A_751, %swap3A_752], %swap3A_755 {strides = array<i32>} : memref<26x512xi32, #tpu.memory_space<vmem>>, vector<1x16xi32>,
      %get3A_756 = arith.index_cast %scan3A_478 : i32 to index
      %get3A_757 = arith.constant 400 : index
      %get3A_758 = tpu.vector_load %arg5[%get3A_756, %get3A_757] {strides = array<i32>} : memref<26x512xi32, #tpu.memory_space<vmem>>, vector<1x16xi32>,
      %get3A_759 = vector.shape_cast %get3A_758 : vector<1x16xi32> to vector<16xi32>
      %add3A_760 = vector.broadcast %mul3A_481 : i32 to vector<16xi32>
      %add3A_761 = arith.addi %get3A_759, %add3A_760 : vector<16xi32>
      %swap3A_762 = arith.index_cast %scan3A_478 : i32 to index
      %swap3A_763 = arith.constant 400 : index
      %swap3A_764 = tpu.vector_load %arg5[%swap3A_762, %swap3A_763] {strides = array<i32>} : memref<26x512xi32, #tpu.memory_space<vmem>>, vector<1x16xi32>,
      %swap3A_765 = vector.shape_cast %swap3A_764 : vector<1x16xi32> to vector<16xi32>
      %swap3A_766 = vector.shape_cast %add3A_761 : vector<16xi32> to vector<1x16xi32>
      tpu.vector_store %arg5[%swap3A_762, %swap3A_763], %swap3A_766 {strides = array<i32>} : memref<26x512xi32, #tpu.memory_space<vmem>>, vector<1x16xi32>,
      %get3A_767 = arith.index_cast %scan3A_478 : i32 to index
      %get3A_768 = arith.constant 416 : index
      %get3A_769 = tpu.vector_load %arg5[%get3A_767, %get3A_768] {strides = array<i32>} : memref<26x512xi32, #tpu.memory_space<vmem>>, vector<1x16xi32>,
      %get3A_770 = vector.shape_cast %get3A_769 : vector<1x16xi32> to vector<16xi32>
      %add3A_771 = vector.broadcast %mul3A_481 : i32 to vector<16xi32>
      %add3A_772 = arith.addi %get3A_770, %add3A_771 : vector<16xi32>
      %swap3A_773 = arith.index_cast %scan3A_478 : i32 to index
      %swap3A_774 = arith.constant 416 : index
      %swap3A_775 = tpu.vector_load %arg5[%swap3A_773, %swap3A_774] {strides = array<i32>} : memref<26x512xi32, #tpu.memory_space<vmem>>, vector<1x16xi32>,
      %swap3A_776 = vector.shape_cast %swap3A_775 : vector<1x16xi32> to vector<16xi32>
      %swap3A_777 = vector.shape_cast %add3A_772 : vector<16xi32> to vector<1x16xi32>
      tpu.vector_store %arg5[%swap3A_773, %swap3A_774], %swap3A_777 {strides = array<i32>} : memref<26x512xi32, #tpu.memory_space<vmem>>, vector<1x16xi32>,
      %get3A_778 = arith.index_cast %scan3A_478 : i32 to index
      %get3A_779 = arith.constant 432 : index
      %get3A_780 = tpu.vector_load %arg5[%get3A_778, %get3A_779] {strides = array<i32>} : memref<26x512xi32, #tpu.memory_space<vmem>>, vector<1x16xi32>,
      %get3A_781 = vector.shape_cast %get3A_780 : vector<1x16xi32> to vector<16xi32>
      %add3A_782 = vector.broadcast %mul3A_481 : i32 to vector<16xi32>
      %add3A_783 = arith.addi %get3A_781, %add3A_782 : vector<16xi32>
      %swap3A_784 = arith.index_cast %scan3A_478 : i32 to index
      %swap3A_785 = arith.constant 432 : index
      %swap3A_786 = tpu.vector_load %arg5[%swap3A_784, %swap3A_785] {strides = array<i32>} : memref<26x512xi32, #tpu.memory_space<vmem>>, vector<1x16xi32>,
      %swap3A_787 = vector.shape_cast %swap3A_786 : vector<1x16xi32> to vector<16xi32>
      %swap3A_788 = vector.shape_cast %add3A_783 : vector<16xi32> to vector<1x16xi32>
      tpu.vector_store %arg5[%swap3A_784, %swap3A_785], %swap3A_788 {strides = array<i32>} : memref<26x512xi32, #tpu.memory_space<vmem>>, vector<1x16xi32>,
      %get3A_789 = arith.index_cast %scan3A_478 : i32 to index
      %get3A_790 = arith.constant 448 : index
      %get3A_791 = tpu.vector_load %arg5[%get3A_789, %get3A_790] {strides = array<i32>} : memref<26x512xi32, #tpu.memory_space<vmem>>, vector<1x16xi32>,
      %get3A_792 = vector.shape_cast %get3A_791 : vector<1x16xi32> to vector<16xi32>
      %add3A_793 = vector.broadcast %mul3A_481 : i32 to vector<16xi32>
      %add3A_794 = arith.addi %get3A_792, %add3A_793 : vector<16xi32>
      %swap3A_795 = arith.index_cast %scan3A_478 : i32 to index
      %swap3A_796 = arith.constant 448 : index
      %swap3A_797 = tpu.vector_load %arg5[%swap3A_795, %swap3A_796] {strides = array<i32>} : memref<26x512xi32, #tpu.memory_space<vmem>>, vector<1x16xi32>,
      %swap3A_798 = vector.shape_cast %swap3A_797 : vector<1x16xi32> to vector<16xi32>
      %swap3A_799 = vector.shape_cast %add3A_794 : vector<16xi32> to vector<1x16xi32>
      tpu.vector_store %arg5[%swap3A_795, %swap3A_796], %swap3A_799 {strides = array<i32>} : memref<26x512xi32, #tpu.memory_space<vmem>>, vector<1x16xi32>,
      %get3A_800 = arith.index_cast %scan3A_478 : i32 to index
      %get3A_801 = arith.constant 464 : index
      %get3A_802 = tpu.vector_load %arg5[%get3A_800, %get3A_801] {strides = array<i32>} : memref<26x512xi32, #tpu.memory_space<vmem>>, vector<1x16xi32>,
      %get3A_803 = vector.shape_cast %get3A_802 : vector<1x16xi32> to vector<16xi32>
      %add3A_804 = vector.broadcast %mul3A_481 : i32 to vector<16xi32>
      %add3A_805 = arith.addi %get3A_803, %add3A_804 : vector<16xi32>
      %swap3A_806 = arith.index_cast %scan3A_478 : i32 to index
      %swap3A_807 = arith.constant 464 : index
      %swap3A_808 = tpu.vector_load %arg5[%swap3A_806, %swap3A_807] {strides = array<i32>} : memref<26x512xi32, #tpu.memory_space<vmem>>, vector<1x16xi32>,
      %swap3A_809 = vector.shape_cast %swap3A_808 : vector<1x16xi32> to vector<16xi32>
      %swap3A_810 = vector.shape_cast %add3A_805 : vector<16xi32> to vector<1x16xi32>
      tpu.vector_store %arg5[%swap3A_806, %swap3A_807], %swap3A_810 {strides = array<i32>} : memref<26x512xi32, #tpu.memory_space<vmem>>, vector<1x16xi32>,
      %get3A_811 = arith.index_cast %scan3A_478 : i32 to index
      %get3A_812 = arith.constant 480 : index
      %get3A_813 = tpu.vector_load %arg5[%get3A_811, %get3A_812] {strides = array<i32>} : memref<26x512xi32, #tpu.memory_space<vmem>>, vector<1x16xi32>,
      %get3A_814 = vector.shape_cast %get3A_813 : vector<1x16xi32> to vector<16xi32>
      %add3A_815 = vector.broadcast %mul3A_481 : i32 to vector<16xi32>
      %add3A_816 = arith.addi %get3A_814, %add3A_815 : vector<16xi32>
      %swap3A_817 = arith.index_cast %scan3A_478 : i32 to index
      %swap3A_818 = arith.constant 480 : index
      %swap3A_819 = tpu.vector_load %arg5[%swap3A_817, %swap3A_818] {strides = array<i32>} : memref<26x512xi32, #tpu.memory_space<vmem>>, vector<1x16xi32>,
      %swap3A_820 = vector.shape_cast %swap3A_819 : vector<1x16xi32> to vector<16xi32>
      %swap3A_821 = vector.shape_cast %add3A_816 : vector<16xi32> to vector<1x16xi32>
      tpu.vector_store %arg5[%swap3A_817, %swap3A_818], %swap3A_821 {strides = array<i32>} : memref<26x512xi32, #tpu.memory_space<vmem>>, vector<1x16xi32>,
      %get3A_822 = arith.index_cast %scan3A_478 : i32 to index
      %get3A_823 = arith.constant 496 : index
      %get3A_824 = tpu.vector_load %arg5[%get3A_822, %get3A_823] {strides = array<i32>} : memref<26x512xi32, #tpu.memory_space<vmem>>, vector<1x16xi32>,
      %get3A_825 = vector.shape_cast %get3A_824 : vector<1x16xi32> to vector<16xi32>
      %add3A_826 = vector.broadcast %mul3A_481 : i32 to vector<16xi32>
      %add3A_827 = arith.addi %get3A_825, %add3A_826 : vector<16xi32>
      %swap3A_828 = arith.index_cast %scan3A_478 : i32 to index
      %swap3A_829 = arith.constant 496 : index
      %swap3A_830 = tpu.vector_load %arg5[%swap3A_828, %swap3A_829] {strides = array<i32>} : memref<26x512xi32, #tpu.memory_space<vmem>>, vector<1x16xi32>,
      %swap3A_831 = vector.shape_cast %swap3A_830 : vector<1x16xi32> to vector<16xi32>
      %swap3A_832 = vector.shape_cast %add3A_827 : vector<16xi32> to vector<1x16xi32>
      tpu.vector_store %arg5[%swap3A_828, %swap3A_829], %swap3A_832 {strides = array<i32>} : memref<26x512xi32, #tpu.memory_space<vmem>>, vector<1x16xi32>,
      %scan3A_833 = arith.constant 0 : i32
      scf.yield %scan3A_833 : i32
    }
    %scan3A_455 = arith.constant 26 : i32
    %dma_start3A = arith.constant 0 : i32
    %dma_start3A_456 = arith.constant 0 : i32
    %dma_start3A_457 = arith.constant 0 : i32
    %dma_start3A_458 = arith.constant 0 : i32
    %dma_start3A_459 = tpu.memref_slice %arg6[%dma_start3A_456, %dma_start3A_457, %dma_start3A_458] : memref<2x128x8xf32, #tpu.memory_space<vmem>> -> memref<1x128x8xf32, #tpu.memory_space<vmem>>
    %dma_start3A_460 = tpu.memref_squeeze %dma_start3A_459 : memref<1x128x8xf32, #tpu.memory_space<vmem>> -> memref<128x8xf32, #tpu.memory_space<vmem>>
    %dma_start3A_461 = arith.constant 0 : i32
    %dma_start3A_462 = tpu.memref_slice %arg5[%dma_start3A, %dma_start3A_461] : memref<26x512xi32, #tpu.memory_space<vmem>> -> memref<1x128xi32, #tpu.memory_space<vmem>>
    %dma_start3A_463 = tpu.memref_squeeze %dma_start3A_462 : memref<1x128xi32, #tpu.memory_space<vmem>> -> memref<128xi32, #tpu.memory_space<vmem>>
    %dma_start3A_464 = arith.constant 0 : i32
    %dma_start3A_465 = arith.constant 0 : i32
    %dma_start3A_466 = tpu.memref_slice %arg3[%dma_start3A_464, %dma_start3A_465] : memref<2600000x8xf32, #tpu.memory_space<hbm>> -> memref<2600000x8xf32, #tpu.memory_space<hbm>>
    tpu.enqueue_indirect_dma source(%dma_start3A_466 : memref<2600000x8xf32, #tpu.memory_space<hbm>>) target(%dma_start3A_460 : memref<128x8xf32, #tpu.memory_space<vmem>>) offsets(%dma_start3A_463 : memref<128xi32, #tpu.memory_space<vmem>>) semaphore(%arg10 : memref<!tpu.dma_semaphore, #tpu.memory_space<semaphore_mem>>)
    %scan3A_467 = arith.constant 0 : i32
    %scan3A_468 = arith.constant 0 : i32
    %scan3A_469 = arith.constant 52 : i32
    %scan3A_470 = arith.addi %scan3A_468, %scan3A_469 : i32
    %scan3A_471 = arith.constant 1 : i32
    %scan3A_472 = scf.for %scan3A_478 = %scan3A_468 to %scan3A_470 step %scan3A_471 iter_args(%scan3A_479 = %scan3A_467) -> (i32)  : i32 {
      %mul3A_480 = arith.constant 2 : i32
      %mul3A_481 = arith.muli %mul3A_480, %scan3A_478 : i32
      %add3A_482 = arith.constant 1 : i32
      %add3A_483 = arith.addi %mul3A_481, %add3A_482 : i32
      %jit3A = arith.constant 4 : i32
      %div3A = arith.divsi %add3A_483, %jit3A : i32
      %sign3A = arith.constant 0 : i32
      %sign3A_484 = arith.cmpi sgt, %add3A_483, %sign3A : i32
      %sign3A_485 = arith.extui %sign3A_484 : i1 to i32
      %sign3A_486 = arith.constant 0 : i32
      %sign3A_487 = arith.cmpi slt, %add3A_483, %sign3A_486 : i32
      %sign3A_488 = arith.extui %sign3A_487 : i1 to i32
      %sign3A_489 = arith.subi %sign3A_485, %sign3A_488 : i32
      %sign3A_490 = arith.constant 0 : i32
      %sign3A_491 = arith.cmpi sgt, %jit3A, %sign3A_490 : i32
      %sign3A_492 = arith.extui %sign3A_491 : i1 to i32
      %sign3A_493 = arith.constant 0 : i32
      %sign3A_494 = arith.cmpi slt, %jit3A, %sign3A_493 : i32
      %sign3A_495 = arith.extui %sign3A_494 : i1 to i32
      %sign3A_496 = arith.subi %sign3A_492, %sign3A_495 : i32
      %ne3A = arith.cmpi ne, %sign3A_489, %sign3A_496 : i32
      %rem3A = arith.remsi %add3A_483, %jit3A : i32
      %ne3A_497 = arith.constant 0 : i32
      %ne3A_498 = arith.cmpi ne, %rem3A, %ne3A_497 : i32
      %and3A = arith.andi %ne3A, %ne3A_498 : i1
      %sub3A = arith.constant 1 : i32
      %sub3A_499 = arith.subi %div3A, %sub3A : i32
      %select_n3A = arith.select %and3A, %sub3A_499, %div3A : i32
      %jit3A_500 = arith.constant 4 : i32
      %eq3A = arith.constant 0 : i32
      %eq3A_501 = arith.cmpi eq, %jit3A_500, %eq3A : i32
      %jit3A_502 = arith.constant 1 : i32
      %select_n3A_503 = arith.select %eq3A_501, %jit3A_502, %jit3A_500 : i32
      %rem3A_504 = arith.remsi %add3A_483, %select_n3A_503 : i32
      %ne3A_505 = arith.constant 0 : i32
      %ne3A_506 = arith.cmpi ne, %rem3A_504, %ne3A_505 : i32
      %lt3A = arith.constant 0 : i32
      %lt3A_507 = arith.cmpi slt, %rem3A_504, %lt3A : i32
      %lt3A_508 = arith.constant 0 : i32
      %lt3A_509 = arith.cmpi slt, %select_n3A_503, %lt3A_508 : i32
      %ne3A_510 = arith.xori %lt3A_507, %lt3A_509 : i1
      %and3A_511 = arith.andi %ne3A_510, %ne3A_506 : i1
      %add3A_512 = arith.addi %rem3A_504, %select_n3A_503 : i32
      %select_n3A_513 = arith.select %and3A_511, %add3A_512, %rem3A_504 : i32
      %mul3A_514 = arith.constant 128 : i32
      %mul3A_515 = arith.muli %select_n3A_513, %mul3A_514 : i32
      %dma_start3A_516 = arith.constant 1 : i32
      %dma_start3A_517 = arith.constant 0 : i32
      %dma_start3A_518 = arith.constant 0 : i32
      %dma_start3A_519 = tpu.memref_slice %arg6[%dma_start3A_516, %dma_start3A_517, %dma_start3A_518] : memref<2x128x8xf32, #tpu.memory_space<vmem>> -> memref<1x128x8xf32, #tpu.memory_space<vmem>>
      %dma_start3A_520 = tpu.memref_squeeze %dma_start3A_519 : memref<1x128x8xf32, #tpu.memory_space<vmem>> -> memref<128x8xf32, #tpu.memory_space<vmem>>
      %dma_start3A_521 = tpu.memref_slice %arg5[%select_n3A, %mul3A_515] : memref<26x512xi32, #tpu.memory_space<vmem>> -> memref<1x128xi32, #tpu.memory_space<vmem>>
      %dma_start3A_522 = tpu.memref_squeeze %dma_start3A_521 : memref<1x128xi32, #tpu.memory_space<vmem>> -> memref<128xi32, #tpu.memory_space<vmem>>
      %dma_start3A_523 = arith.constant 0 : i32
      %dma_start3A_524 = arith.constant 0 : i32
      %dma_start3A_525 = tpu.memref_slice %arg3[%dma_start3A_523, %dma_start3A_524] : memref<2600000x8xf32, #tpu.memory_space<hbm>> -> memref<2600000x8xf32, #tpu.memory_space<hbm>>
      tpu.enqueue_indirect_dma source(%dma_start3A_525 : memref<2600000x8xf32, #tpu.memory_space<hbm>>) target(%dma_start3A_520 : memref<128x8xf32, #tpu.memory_space<vmem>>) offsets(%dma_start3A_522 : memref<128xi32, #tpu.memory_space<vmem>>) semaphore(%arg11 : memref<!tpu.dma_semaphore, #tpu.memory_space<semaphore_mem>>)
      %jit3A_526 = arith.constant 4 : i32
      %div3A_527 = arith.divsi %mul3A_481, %jit3A_526 : i32
      %sign3A_528 = arith.constant 0 : i32
      %sign3A_529 = arith.cmpi sgt, %mul3A_481, %sign3A_528 : i32
      %sign3A_530 = arith.extui %sign3A_529 : i1 to i32
      %sign3A_531 = arith.constant 0 : i32
      %sign3A_532 = arith.cmpi slt, %mul3A_481, %sign3A_531 : i32
      %sign3A_533 = arith.extui %sign3A_532 : i1 to i32
      %sign3A_534 = arith.subi %sign3A_530, %sign3A_533 : i32
      %sign3A_535 = arith.constant 0 : i32
      %sign3A_536 = arith.cmpi sgt, %jit3A_526, %sign3A_535 : i32
      %sign3A_537 = arith.extui %sign3A_536 : i1 to i32
      %sign3A_538 = arith.constant 0 : i32
      %sign3A_539 = arith.cmpi slt, %jit3A_526, %sign3A_538 : i32
      %sign3A_540 = arith.extui %sign3A_539 : i1 to i32
      %sign3A_541 = arith.subi %sign3A_537, %sign3A_540 : i32
      %ne3A_542 = arith.cmpi ne, %sign3A_534, %sign3A_541 : i32
      %rem3A_543 = arith.remsi %mul3A_481, %jit3A_526 : i32
      %ne3A_544 = arith.constant 0 : i32
      %ne3A_545 = arith.cmpi ne, %rem3A_543, %ne3A_544 : i32
      %and3A_546 = arith.andi %ne3A_542, %ne3A_545 : i1
      %sub3A_547 = arith.constant 1 : i32
      %sub3A_548 = arith.subi %div3A_527, %sub3A_547 : i32
      %select_n3A_549 = arith.select %and3A_546, %sub3A_548, %div3A_527 : i32
      %jit3A_550 = arith.constant 4 : i32
      %eq3A_551 = arith.constant 0 : i32
      %eq3A_552 = arith.cmpi eq, %jit3A_550, %eq3A_551 : i32
      %jit3A_553 = arith.constant 1 : i32
      %select_n3A_554 = arith.select %eq3A_552, %jit3A_553, %jit3A_550 : i32
      %rem3A_555 = arith.remsi %mul3A_481, %select_n3A_554 : i32
      %ne3A_556 = arith.constant 0 : i32
      %ne3A_557 = arith.cmpi ne, %rem3A_555, %ne3A_556 : i32
      %lt3A_558 = arith.constant 0 : i32
      %lt3A_559 = arith.cmpi slt, %rem3A_555, %lt3A_558 : i32
      %lt3A_560 = arith.constant 0 : i32
      %lt3A_561 = arith.cmpi slt, %select_n3A_554, %lt3A_560 : i32
      %ne3A_562 = arith.xori %lt3A_559, %lt3A_561 : i1
      %and3A_563 = arith.andi %ne3A_562, %ne3A_557 : i1
      %add3A_564 = arith.addi %rem3A_555, %select_n3A_554 : i32
      %select_n3A_565 = arith.select %and3A_563, %add3A_564, %rem3A_555 : i32
      %mul3A_566 = arith.constant 128 : i32
      %mul3A_567 = arith.muli %select_n3A_565, %mul3A_566 : i32
      %dma_wait3A = arith.constant 0 : i32
      %dma_wait3A_568 = arith.constant 0 : i32
      %dma_wait3A_569 = arith.constant 0 : i32
      %dma_wait3A_570 = tpu.memref_slice %arg6[%dma_wait3A, %dma_wait3A_568, %dma_wait3A_569] : memref<2x128x8xf32, #tpu.memory_space<vmem>> -> memref<1x128x8xf32, #tpu.memory_space<vmem>>
      %dma_wait3A_571 = tpu.memref_squeeze %dma_wait3A_570 : memref<1x128x8xf32, #tpu.memory_space<vmem>> -> memref<128x8xf32, #tpu.memory_space<vmem>>
      %dma_wait3A_572 = tpu.memref_slice %arg5[%select_n3A_549, %mul3A_567] : memref<26x512xi32, #tpu.memory_space<vmem>> -> memref<1x128xi32, #tpu.memory_space<vmem>>
      %dma_wait3A_573 = tpu.memref_squeeze %dma_wait3A_572 : memref<1x128xi32, #tpu.memory_space<vmem>> -> memref<128xi32, #tpu.memory_space<vmem>>
      %dma_wait3A_574 = arith.constant 0 : i32
      %dma_wait3A_575 = arith.constant 0 : i32
      %dma_wait3A_576 = tpu.memref_slice %arg3[%dma_wait3A_574, %dma_wait3A_575] : memref<2600000x8xf32, #tpu.memory_space<hbm>> -> memref<2600000x8xf32, #tpu.memory_space<hbm>>
      tpu.wait_indirect_dma semaphore(%arg10 : memref<!tpu.dma_semaphore, #tpu.memory_space<semaphore_mem>>) src(%dma_wait3A_576 : memref<2600000x8xf32, #tpu.memory_space<hbm>>) dst(%dma_wait3A_571 : memref<128x8xf32, #tpu.memory_space<vmem>>)
      %eq3A_577 = arith.constant 0 : i32
      %eq3A_578 = arith.cmpi eq, %select_n3A_549, %eq3A_577 : i32
      %convert_element_type3A = arith.extui %eq3A_578 : i1 to i32
      %cond3A = arith.constant 0 : i32
      %cond3A_579 = arith.constant 0 : i32
      %cond3A_580 = arith.cmpi ne, %convert_element_type3A, %cond3A_579 : i32
      scf.if %cond3A_580 {
        "tpu.region"() ({
          %run_scoped3A = tpu.sem_alloc : memref<!tpu.dma_semaphore, #tpu.memory_space<semaphore_mem>>
          %dma_start3A_659 = arith.constant 0 : i32
          %dma_start3A_660 = arith.constant 0 : i32
          %dma_start3A_661 = tpu.memref_slice %arg6[%cond3A, %dma_start3A_659, %dma_start3A_660] : memref<2x128x8xf32, #tpu.memory_space<vmem>> -> memref<1x128x8xf32, #tpu.memory_space<vmem>>
          %dma_start3A_662 = tpu.memref_squeeze %dma_start3A_661 : memref<1x128x8xf32, #tpu.memory_space<vmem>> -> memref<128x8xf32, #tpu.memory_space<vmem>>
          %dma_start3A_663 = arith.constant 0 : i32
          %dma_start3A_664 = tpu.memref_slice %arg7[%select_n3A_565, %dma_start3A_663] : memref<4x128xi32, #tpu.memory_space<vmem>> -> memref<1x128xi32, #tpu.memory_space<vmem>>
          %dma_start3A_665 = tpu.memref_squeeze %dma_start3A_664 : memref<1x128xi32, #tpu.memory_space<vmem>> -> memref<128xi32, #tpu.memory_space<vmem>>
          %dma_start3A_666 = arith.constant 0 : i32
          %dma_start3A_667 = arith.constant 0 : i32
          %dma_start3A_668 = tpu.memref_slice %arg9[%dma_start3A_666, %dma_start3A_667] : memref<8192x8xf32, #tpu.memory_space<vmem_shared>> -> memref<8192x8xf32, #tpu.memory_space<vmem_shared>>
          tpu.enqueue_indirect_dma source(%dma_start3A_662 : memref<128x8xf32, #tpu.memory_space<vmem>>) target(%dma_start3A_668 : memref<8192x8xf32, #tpu.memory_space<vmem_shared>>) offsets(%dma_start3A_665 : memref<128xi32, #tpu.memory_space<vmem>>) semaphore(%run_scoped3A : memref<!tpu.dma_semaphore, #tpu.memory_space<semaphore_mem>>)
          %dma_wait3A_669 = arith.constant 0 : i32
          %dma_wait3A_670 = arith.constant 0 : i32
          %dma_wait3A_671 = tpu.memref_slice %arg6[%cond3A, %dma_wait3A_669, %dma_wait3A_670] : memref<2x128x8xf32, #tpu.memory_space<vmem>> -> memref<1x128x8xf32, #tpu.memory_space<vmem>>
          %dma_wait3A_672 = tpu.memref_squeeze %dma_wait3A_671 : memref<1x128x8xf32, #tpu.memory_space<vmem>> -> memref<128x8xf32, #tpu.memory_space<vmem>>
          %dma_wait3A_673 = arith.constant 0 : i32
          %dma_wait3A_674 = tpu.memref_slice %arg7[%select_n3A_565, %dma_wait3A_673] : memref<4x128xi32, #tpu.memory_space<vmem>> -> memref<1x128xi32, #tpu.memory_space<vmem>>
          %dma_wait3A_675 = tpu.memref_squeeze %dma_wait3A_674 : memref<1x128xi32, #tpu.memory_space<vmem>> -> memref<128xi32, #tpu.memory_space<vmem>>
          %dma_wait3A_676 = arith.constant 0 : i32
          %dma_wait3A_677 = arith.constant 0 : i32
          %dma_wait3A_678 = tpu.memref_slice %arg9[%dma_wait3A_676, %dma_wait3A_677] : memref<8192x8xf32, #tpu.memory_space<vmem_shared>> -> memref<8192x8xf32, #tpu.memory_space<vmem_shared>>
          tpu.wait_indirect_dma semaphore(%run_scoped3A : memref<!tpu.dma_semaphore, #tpu.memory_space<semaphore_mem>>) src(%dma_wait3A_672 : memref<128x8xf32, #tpu.memory_space<vmem>>) dst(%dma_wait3A_678 : memref<8192x8xf32, #tpu.memory_space<vmem_shared>>)
          tpu.yield
        }) : () -> ()
      } else {
      }
      %ne3A_581 = arith.constant 0 : i32
      %ne3A_582 = arith.cmpi ne, %select_n3A_549, %ne3A_581 : i32
      %convert_element_type3A_583 = arith.extui %ne3A_582 : i1 to i32
      %cond3A_584 = arith.constant 0 : i32
      %cond3A_585 = arith.constant 0 : i32
      %cond3A_586 = arith.cmpi ne, %convert_element_type3A_583, %cond3A_585 : i32
      scf.if %cond3A_586 {
        "tpu.region"() ({
          %run_scoped3A = tpu.sem_alloc : memref<!tpu.dma_semaphore, #tpu.memory_space<semaphore_mem>>
          %dma_start3A_659 = arith.constant 0 : i32
          %dma_start3A_660 = arith.constant 0 : i32
          %dma_start3A_661 = tpu.memref_slice %arg6[%cond3A_584, %dma_start3A_659, %dma_start3A_660] : memref<2x128x8xf32, #tpu.memory_space<vmem>> -> memref<1x128x8xf32, #tpu.memory_space<vmem>>
          %dma_start3A_662 = tpu.memref_squeeze %dma_start3A_661 : memref<1x128x8xf32, #tpu.memory_space<vmem>> -> memref<128x8xf32, #tpu.memory_space<vmem>>
          %dma_start3A_663 = arith.constant 0 : i32
          %dma_start3A_664 = tpu.memref_slice %arg7[%select_n3A_565, %dma_start3A_663] : memref<4x128xi32, #tpu.memory_space<vmem>> -> memref<1x128xi32, #tpu.memory_space<vmem>>
          %dma_start3A_665 = tpu.memref_squeeze %dma_start3A_664 : memref<1x128xi32, #tpu.memory_space<vmem>> -> memref<128xi32, #tpu.memory_space<vmem>>
          %dma_start3A_666 = arith.constant 0 : i32
          %dma_start3A_667 = arith.constant 0 : i32
          %dma_start3A_668 = tpu.memref_slice %arg9[%dma_start3A_666, %dma_start3A_667] : memref<8192x8xf32, #tpu.memory_space<vmem_shared>> -> memref<8192x8xf32, #tpu.memory_space<vmem_shared>>
          tpu.enqueue_indirect_dma source(%dma_start3A_662 : memref<128x8xf32, #tpu.memory_space<vmem>>) target(%dma_start3A_668 : memref<8192x8xf32, #tpu.memory_space<vmem_shared>>) offsets(%dma_start3A_665 : memref<128xi32, #tpu.memory_space<vmem>>) semaphore(%run_scoped3A : memref<!tpu.dma_semaphore, #tpu.memory_space<semaphore_mem>>) {add = true}
          %dma_wait3A_669 = arith.constant 0 : i32
          %dma_wait3A_670 = arith.constant 0 : i32
          %dma_wait3A_671 = tpu.memref_slice %arg6[%cond3A_584, %dma_wait3A_669, %dma_wait3A_670] : memref<2x128x8xf32, #tpu.memory_space<vmem>> -> memref<1x128x8xf32, #tpu.memory_space<vmem>>
          %dma_wait3A_672 = tpu.memref_squeeze %dma_wait3A_671 : memref<1x128x8xf32, #tpu.memory_space<vmem>> -> memref<128x8xf32, #tpu.memory_space<vmem>>
          %dma_wait3A_673 = arith.constant 0 : i32
          %dma_wait3A_674 = tpu.memref_slice %arg7[%select_n3A_565, %dma_wait3A_673] : memref<4x128xi32, #tpu.memory_space<vmem>> -> memref<1x128xi32, #tpu.memory_space<vmem>>
          %dma_wait3A_675 = tpu.memref_squeeze %dma_wait3A_674 : memref<1x128xi32, #tpu.memory_space<vmem>> -> memref<128xi32, #tpu.memory_space<vmem>>
          %dma_wait3A_676 = arith.constant 0 : i32
          %dma_wait3A_677 = arith.constant 0 : i32
          %dma_wait3A_678 = tpu.memref_slice %arg9[%dma_wait3A_676, %dma_wait3A_677] : memref<8192x8xf32, #tpu.memory_space<vmem_shared>> -> memref<8192x8xf32, #tpu.memory_space<vmem_shared>>
          tpu.wait_indirect_dma semaphore(%run_scoped3A : memref<!tpu.dma_semaphore, #tpu.memory_space<semaphore_mem>>) src(%dma_wait3A_672 : memref<128x8xf32, #tpu.memory_space<vmem>>) dst(%dma_wait3A_678 : memref<8192x8xf32, #tpu.memory_space<vmem_shared>>)
          tpu.yield
        }) : () -> ()
      } else {
      }
      %lt3A_587 = arith.constant 51 : i32
      %lt3A_588 = arith.cmpi slt, %scan3A_478, %lt3A_587 : i32
      %convert_element_type3A_589 = arith.extui %lt3A_588 : i1 to i32
      %cond3A_590 = arith.constant 0 : i32
      %cond3A_591 = arith.cmpi ne, %convert_element_type3A_589, %cond3A_590 : i32
      scf.if %cond3A_591 {
        %add3A_659 = arith.constant 2 : i32
        %add3A_660 = arith.addi %mul3A_481, %add3A_659 : i32
        %jit3A_661 = arith.constant 4 : i32
        %div3A_662 = arith.divsi %add3A_660, %jit3A_661 : i32
        %sign3A_663 = arith.constant 0 : i32
        %sign3A_664 = arith.cmpi sgt, %add3A_660, %sign3A_663 : i32
        %sign3A_665 = arith.extui %sign3A_664 : i1 to i32
        %sign3A_666 = arith.constant 0 : i32
        %sign3A_667 = arith.cmpi slt, %add3A_660, %sign3A_666 : i32
        %sign3A_668 = arith.extui %sign3A_667 : i1 to i32
        %sign3A_669 = arith.subi %sign3A_665, %sign3A_668 : i32
        %sign3A_670 = arith.constant 0 : i32
        %sign3A_671 = arith.cmpi sgt, %jit3A_661, %sign3A_670 : i32
        %sign3A_672 = arith.extui %sign3A_671 : i1 to i32
        %sign3A_673 = arith.constant 0 : i32
        %sign3A_674 = arith.cmpi slt, %jit3A_661, %sign3A_673 : i32
        %sign3A_675 = arith.extui %sign3A_674 : i1 to i32
        %sign3A_676 = arith.subi %sign3A_672, %sign3A_675 : i32
        %ne3A_677 = arith.cmpi ne, %sign3A_669, %sign3A_676 : i32
        %rem3A_678 = arith.remsi %add3A_660, %jit3A_661 : i32
        %ne3A_679 = arith.constant 0 : i32
        %ne3A_680 = arith.cmpi ne, %rem3A_678, %ne3A_679 : i32
        %and3A_681 = arith.andi %ne3A_677, %ne3A_680 : i1
        %sub3A_682 = arith.constant 1 : i32
        %sub3A_683 = arith.subi %div3A_662, %sub3A_682 : i32
        %select_n3A_684 = arith.select %and3A_681, %sub3A_683, %div3A_662 : i32
        %jit3A_685 = arith.constant 4 : i32
        %eq3A_686 = arith.constant 0 : i32
        %eq3A_687 = arith.cmpi eq, %jit3A_685, %eq3A_686 : i32
        %jit3A_688 = arith.constant 1 : i32
        %select_n3A_689 = arith.select %eq3A_687, %jit3A_688, %jit3A_685 : i32
        %rem3A_690 = arith.remsi %add3A_660, %select_n3A_689 : i32
        %ne3A_691 = arith.constant 0 : i32
        %ne3A_692 = arith.cmpi ne, %rem3A_690, %ne3A_691 : i32
        %lt3A_693 = arith.constant 0 : i32
        %lt3A_694 = arith.cmpi slt, %rem3A_690, %lt3A_693 : i32
        %lt3A_695 = arith.constant 0 : i32
        %lt3A_696 = arith.cmpi slt, %select_n3A_689, %lt3A_695 : i32
        %ne3A_697 = arith.xori %lt3A_694, %lt3A_696 : i1
        %and3A_698 = arith.andi %ne3A_697, %ne3A_692 : i1
        %add3A_699 = arith.addi %rem3A_690, %select_n3A_689 : i32
        %select_n3A_700 = arith.select %and3A_698, %add3A_699, %rem3A_690 : i32
        %mul3A_701 = arith.constant 128 : i32
        %mul3A_702 = arith.muli %select_n3A_700, %mul3A_701 : i32
        %dma_start3A_703 = arith.constant 0 : i32
        %dma_start3A_704 = arith.constant 0 : i32
        %dma_start3A_705 = arith.constant 0 : i32
        %dma_start3A_706 = tpu.memref_slice %arg6[%dma_start3A_703, %dma_start3A_704, %dma_start3A_705] : memref<2x128x8xf32, #tpu.memory_space<vmem>> -> memref<1x128x8xf32, #tpu.memory_space<vmem>>
        %dma_start3A_707 = tpu.memref_squeeze %dma_start3A_706 : memref<1x128x8xf32, #tpu.memory_space<vmem>> -> memref<128x8xf32, #tpu.memory_space<vmem>>
        %dma_start3A_708 = tpu.memref_slice %arg5[%select_n3A_684, %mul3A_702] : memref<26x512xi32, #tpu.memory_space<vmem>> -> memref<1x128xi32, #tpu.memory_space<vmem>>
        %dma_start3A_709 = tpu.memref_squeeze %dma_start3A_708 : memref<1x128xi32, #tpu.memory_space<vmem>> -> memref<128xi32, #tpu.memory_space<vmem>>
        %dma_start3A_710 = arith.constant 0 : i32
        %dma_start3A_711 = arith.constant 0 : i32
        %dma_start3A_712 = tpu.memref_slice %arg3[%dma_start3A_710, %dma_start3A_711] : memref<2600000x8xf32, #tpu.memory_space<hbm>> -> memref<2600000x8xf32, #tpu.memory_space<hbm>>
        tpu.enqueue_indirect_dma source(%dma_start3A_712 : memref<2600000x8xf32, #tpu.memory_space<hbm>>) target(%dma_start3A_707 : memref<128x8xf32, #tpu.memory_space<vmem>>) offsets(%dma_start3A_709 : memref<128xi32, #tpu.memory_space<vmem>>) semaphore(%arg10 : memref<!tpu.dma_semaphore, #tpu.memory_space<semaphore_mem>>)
      } else {
      }
      %add3A_592 = arith.constant 1 : i32
      %add3A_593 = arith.addi %mul3A_481, %add3A_592 : i32
      %jit3A_594 = arith.constant 4 : i32
      %div3A_595 = arith.divsi %add3A_593, %jit3A_594 : i32
      %sign3A_596 = arith.constant 0 : i32
      %sign3A_597 = arith.cmpi sgt, %add3A_593, %sign3A_596 : i32
      %sign3A_598 = arith.extui %sign3A_597 : i1 to i32
      %sign3A_599 = arith.constant 0 : i32
      %sign3A_600 = arith.cmpi slt, %add3A_593, %sign3A_599 : i32
      %sign3A_601 = arith.extui %sign3A_600 : i1 to i32
      %sign3A_602 = arith.subi %sign3A_598, %sign3A_601 : i32
      %sign3A_603 = arith.constant 0 : i32
      %sign3A_604 = arith.cmpi sgt, %jit3A_594, %sign3A_603 : i32
      %sign3A_605 = arith.extui %sign3A_604 : i1 to i32
      %sign3A_606 = arith.constant 0 : i32
      %sign3A_607 = arith.cmpi slt, %jit3A_594, %sign3A_606 : i32
      %sign3A_608 = arith.extui %sign3A_607 : i1 to i32
      %sign3A_609 = arith.subi %sign3A_605, %sign3A_608 : i32
      %ne3A_610 = arith.cmpi ne, %sign3A_602, %sign3A_609 : i32
      %rem3A_611 = arith.remsi %add3A_593, %jit3A_594 : i32
      %ne3A_612 = arith.constant 0 : i32
      %ne3A_613 = arith.cmpi ne, %rem3A_611, %ne3A_612 : i32
      %and3A_614 = arith.andi %ne3A_610, %ne3A_613 : i1
      %sub3A_615 = arith.constant 1 : i32
      %sub3A_616 = arith.subi %div3A_595, %sub3A_615 : i32
      %select_n3A_617 = arith.select %and3A_614, %sub3A_616, %div3A_595 : i32
      %jit3A_618 = arith.constant 4 : i32
      %eq3A_619 = arith.constant 0 : i32
      %eq3A_620 = arith.cmpi eq, %jit3A_618, %eq3A_619 : i32
      %jit3A_621 = arith.constant 1 : i32
      %select_n3A_622 = arith.select %eq3A_620, %jit3A_621, %jit3A_618 : i32
      %rem3A_623 = arith.remsi %add3A_593, %select_n3A_622 : i32
      %ne3A_624 = arith.constant 0 : i32
      %ne3A_625 = arith.cmpi ne, %rem3A_623, %ne3A_624 : i32
      %lt3A_626 = arith.constant 0 : i32
      %lt3A_627 = arith.cmpi slt, %rem3A_623, %lt3A_626 : i32
      %lt3A_628 = arith.constant 0 : i32
      %lt3A_629 = arith.cmpi slt, %select_n3A_622, %lt3A_628 : i32
      %ne3A_630 = arith.xori %lt3A_627, %lt3A_629 : i1
      %and3A_631 = arith.andi %ne3A_630, %ne3A_625 : i1
      %add3A_632 = arith.addi %rem3A_623, %select_n3A_622 : i32
      %select_n3A_633 = arith.select %and3A_631, %add3A_632, %rem3A_623 : i32
      %mul3A_634 = arith.constant 128 : i32
      %mul3A_635 = arith.muli %select_n3A_633, %mul3A_634 : i32
      %dma_wait3A_636 = arith.constant 1 : i32
      %dma_wait3A_637 = arith.constant 0 : i32
      %dma_wait3A_638 = arith.constant 0 : i32
      %dma_wait3A_639 = tpu.memref_slice %arg6[%dma_wait3A_636, %dma_wait3A_637, %dma_wait3A_638] : memref<2x128x8xf32, #tpu.memory_space<vmem>> -> memref<1x128x8xf32, #tpu.memory_space<vmem>>
      %dma_wait3A_640 = tpu.memref_squeeze %dma_wait3A_639 : memref<1x128x8xf32, #tpu.memory_space<vmem>> -> memref<128x8xf32, #tpu.memory_space<vmem>>
      %dma_wait3A_641 = tpu.memref_slice %arg5[%select_n3A_617, %mul3A_635] : memref<26x512xi32, #tpu.memory_space<vmem>> -> memref<1x128xi32, #tpu.memory_space<vmem>>
      %dma_wait3A_642 = tpu.memref_squeeze %dma_wait3A_641 : memref<1x128xi32, #tpu.memory_space<vmem>> -> memref<128xi32, #tpu.memory_space<vmem>>
      %dma_wait3A_643 = arith.constant 0 : i32
      %dma_wait3A_644 = arith.constant 0 : i32
      %dma_wait3A_645 = tpu.memref_slice %arg3[%dma_wait3A_643, %dma_wait3A_644] : memref<2600000x8xf32, #tpu.memory_space<hbm>> -> memref<2600000x8xf32, #tpu.memory_space<hbm>>
      tpu.wait_indirect_dma semaphore(%arg11 : memref<!tpu.dma_semaphore, #tpu.memory_space<semaphore_mem>>) src(%dma_wait3A_645 : memref<2600000x8xf32, #tpu.memory_space<hbm>>) dst(%dma_wait3A_640 : memref<128x8xf32, #tpu.memory_space<vmem>>)
      %eq3A_646 = arith.constant 0 : i32
      %eq3A_647 = arith.cmpi eq, %select_n3A_617, %eq3A_646 : i32
      %convert_element_type3A_648 = arith.extui %eq3A_647 : i1 to i32
      %cond3A_649 = arith.constant 1 : i32
      %cond3A_650 = arith.constant 0 : i32
      %cond3A_651 = arith.cmpi ne, %convert_element_type3A_648, %cond3A_650 : i32
      scf.if %cond3A_651 {
        "tpu.region"() ({
          %run_scoped3A = tpu.sem_alloc : memref<!tpu.dma_semaphore, #tpu.memory_space<semaphore_mem>>
          %dma_start3A_659 = arith.constant 0 : i32
          %dma_start3A_660 = arith.constant 0 : i32
          %dma_start3A_661 = tpu.memref_slice %arg6[%cond3A_649, %dma_start3A_659, %dma_start3A_660] : memref<2x128x8xf32, #tpu.memory_space<vmem>> -> memref<1x128x8xf32, #tpu.memory_space<vmem>>
          %dma_start3A_662 = tpu.memref_squeeze %dma_start3A_661 : memref<1x128x8xf32, #tpu.memory_space<vmem>> -> memref<128x8xf32, #tpu.memory_space<vmem>>
          %dma_start3A_663 = arith.constant 0 : i32
          %dma_start3A_664 = tpu.memref_slice %arg7[%select_n3A_633, %dma_start3A_663] : memref<4x128xi32, #tpu.memory_space<vmem>> -> memref<1x128xi32, #tpu.memory_space<vmem>>
          %dma_start3A_665 = tpu.memref_squeeze %dma_start3A_664 : memref<1x128xi32, #tpu.memory_space<vmem>> -> memref<128xi32, #tpu.memory_space<vmem>>
          %dma_start3A_666 = arith.constant 0 : i32
          %dma_start3A_667 = arith.constant 0 : i32
          %dma_start3A_668 = tpu.memref_slice %arg9[%dma_start3A_666, %dma_start3A_667] : memref<8192x8xf32, #tpu.memory_space<vmem_shared>> -> memref<8192x8xf32, #tpu.memory_space<vmem_shared>>
          tpu.enqueue_indirect_dma source(%dma_start3A_662 : memref<128x8xf32, #tpu.memory_space<vmem>>) target(%dma_start3A_668 : memref<8192x8xf32, #tpu.memory_space<vmem_shared>>) offsets(%dma_start3A_665 : memref<128xi32, #tpu.memory_space<vmem>>) semaphore(%run_scoped3A : memref<!tpu.dma_semaphore, #tpu.memory_space<semaphore_mem>>)
          %dma_wait3A_669 = arith.constant 0 : i32
          %dma_wait3A_670 = arith.constant 0 : i32
          %dma_wait3A_671 = tpu.memref_slice %arg6[%cond3A_649, %dma_wait3A_669, %dma_wait3A_670] : memref<2x128x8xf32, #tpu.memory_space<vmem>> -> memref<1x128x8xf32, #tpu.memory_space<vmem>>
          %dma_wait3A_672 = tpu.memref_squeeze %dma_wait3A_671 : memref<1x128x8xf32, #tpu.memory_space<vmem>> -> memref<128x8xf32, #tpu.memory_space<vmem>>
          %dma_wait3A_673 = arith.constant 0 : i32
          %dma_wait3A_674 = tpu.memref_slice %arg7[%select_n3A_633, %dma_wait3A_673] : memref<4x128xi32, #tpu.memory_space<vmem>> -> memref<1x128xi32, #tpu.memory_space<vmem>>
          %dma_wait3A_675 = tpu.memref_squeeze %dma_wait3A_674 : memref<1x128xi32, #tpu.memory_space<vmem>> -> memref<128xi32, #tpu.memory_space<vmem>>
          %dma_wait3A_676 = arith.constant 0 : i32
          %dma_wait3A_677 = arith.constant 0 : i32
          %dma_wait3A_678 = tpu.memref_slice %arg9[%dma_wait3A_676, %dma_wait3A_677] : memref<8192x8xf32, #tpu.memory_space<vmem_shared>> -> memref<8192x8xf32, #tpu.memory_space<vmem_shared>>
          tpu.wait_indirect_dma semaphore(%run_scoped3A : memref<!tpu.dma_semaphore, #tpu.memory_space<semaphore_mem>>) src(%dma_wait3A_672 : memref<128x8xf32, #tpu.memory_space<vmem>>) dst(%dma_wait3A_678 : memref<8192x8xf32, #tpu.memory_space<vmem_shared>>)
          tpu.yield
        }) : () -> ()
      } else {
      }
      %ne3A_652 = arith.constant 0 : i32
      %ne3A_653 = arith.cmpi ne, %select_n3A_617, %ne3A_652 : i32
      %convert_element_type3A_654 = arith.extui %ne3A_653 : i1 to i32
      %cond3A_655 = arith.constant 1 : i32
      %cond3A_656 = arith.constant 0 : i32
      %cond3A_657 = arith.cmpi ne, %convert_element_type3A_654, %cond3A_656 : i32
      scf.if %cond3A_657 {
        "tpu.region"() ({
          %run_scoped3A = tpu.sem_alloc : memref<!tpu.dma_semaphore, #tpu.memory_space<semaphore_mem>>
          %dma_start3A_659 = arith.constant 0 : i32
          %dma_start3A_660 = arith.constant 0 : i32
          %dma_start3A_661 = tpu.memref_slice %arg6[%cond3A_655, %dma_start3A_659, %dma_start3A_660] : memref<2x128x8xf32, #tpu.memory_space<vmem>> -> memref<1x128x8xf32, #tpu.memory_space<vmem>>
          %dma_start3A_662 = tpu.memref_squeeze %dma_start3A_661 : memref<1x128x8xf32, #tpu.memory_space<vmem>> -> memref<128x8xf32, #tpu.memory_space<vmem>>
          %dma_start3A_663 = arith.constant 0 : i32
          %dma_start3A_664 = tpu.memref_slice %arg7[%select_n3A_633, %dma_start3A_663] : memref<4x128xi32, #tpu.memory_space<vmem>> -> memref<1x128xi32, #tpu.memory_space<vmem>>
          %dma_start3A_665 = tpu.memref_squeeze %dma_start3A_664 : memref<1x128xi32, #tpu.memory_space<vmem>> -> memref<128xi32, #tpu.memory_space<vmem>>
          %dma_start3A_666 = arith.constant 0 : i32
          %dma_start3A_667 = arith.constant 0 : i32
          %dma_start3A_668 = tpu.memref_slice %arg9[%dma_start3A_666, %dma_start3A_667] : memref<8192x8xf32, #tpu.memory_space<vmem_shared>> -> memref<8192x8xf32, #tpu.memory_space<vmem_shared>>
          tpu.enqueue_indirect_dma source(%dma_start3A_662 : memref<128x8xf32, #tpu.memory_space<vmem>>) target(%dma_start3A_668 : memref<8192x8xf32, #tpu.memory_space<vmem_shared>>) offsets(%dma_start3A_665 : memref<128xi32, #tpu.memory_space<vmem>>) semaphore(%run_scoped3A : memref<!tpu.dma_semaphore, #tpu.memory_space<semaphore_mem>>) {add = true}
          %dma_wait3A_669 = arith.constant 0 : i32
          %dma_wait3A_670 = arith.constant 0 : i32
          %dma_wait3A_671 = tpu.memref_slice %arg6[%cond3A_655, %dma_wait3A_669, %dma_wait3A_670] : memref<2x128x8xf32, #tpu.memory_space<vmem>> -> memref<1x128x8xf32, #tpu.memory_space<vmem>>
          %dma_wait3A_672 = tpu.memref_squeeze %dma_wait3A_671 : memref<1x128x8xf32, #tpu.memory_space<vmem>> -> memref<128x8xf32, #tpu.memory_space<vmem>>
          %dma_wait3A_673 = arith.constant 0 : i32
          %dma_wait3A_674 = tpu.memref_slice %arg7[%select_n3A_633, %dma_wait3A_673] : memref<4x128xi32, #tpu.memory_space<vmem>> -> memref<1x128xi32, #tpu.memory_space<vmem>>
          %dma_wait3A_675 = tpu.memref_squeeze %dma_wait3A_674 : memref<1x128xi32, #tpu.memory_space<vmem>> -> memref<128xi32, #tpu.memory_space<vmem>>
          %dma_wait3A_676 = arith.constant 0 : i32
          %dma_wait3A_677 = arith.constant 0 : i32
          %dma_wait3A_678 = tpu.memref_slice %arg9[%dma_wait3A_676, %dma_wait3A_677] : memref<8192x8xf32, #tpu.memory_space<vmem_shared>> -> memref<8192x8xf32, #tpu.memory_space<vmem_shared>>
          tpu.wait_indirect_dma semaphore(%run_scoped3A : memref<!tpu.dma_semaphore, #tpu.memory_space<semaphore_mem>>) src(%dma_wait3A_672 : memref<128x8xf32, #tpu.memory_space<vmem>>) dst(%dma_wait3A_678 : memref<8192x8xf32, #tpu.memory_space<vmem_shared>>)
          tpu.yield
        }) : () -> ()
      } else {
      }
      %scan3A_658 = arith.constant 0 : i32
      scf.yield %scan3A_658 : i32
    }
    %scan3A_473 = arith.constant 52 : i32
    %mul3A_474 = arith.constant 512 : i32
    %mul3A_475 = arith.muli %arg1, %mul3A_474 : i32
    "tpu.region"() ({
      %run_scoped3A = tpu.sem_alloc : memref<!tpu.dma_semaphore, #tpu.memory_space<semaphore_mem>>
      %dma_start3A_478 = arith.constant 0 : i32
      %dma_start3A_479 = tpu.memref_slice %arg9[%mul3A_475, %dma_start3A_478] : memref<8192x8xf32, #tpu.memory_space<vmem_shared>> -> memref<512x8xf32, #tpu.memory_space<vmem_shared>>
      %dma_start3A_480 = arith.constant 0 : i32
      %dma_start3A_481 = tpu.memref_slice %arg9[%mul3A_475, %dma_start3A_480] : memref<8192x8xf32, #tpu.memory_space<vmem_shared>> -> memref<512x8xf32, #tpu.memory_space<vmem_shared>>
      tpu.enqueue_dma source(%dma_start3A_481 : memref<512x8xf32, #tpu.memory_space<vmem_shared>>) target(%arg8 : memref<512x8xf32, #tpu.memory_space<vmem>>) target_semaphore(%run_scoped3A : memref<!tpu.dma_semaphore, #tpu.memory_space<semaphore_mem>>)
      %dma_wait3A = arith.constant 0 : i32
      %dma_wait3A_482 = tpu.memref_slice %arg9[%mul3A_475, %dma_wait3A] : memref<8192x8xf32, #tpu.memory_space<vmem_shared>> -> memref<512x8xf32, #tpu.memory_space<vmem_shared>>
      %dma_wait3A_483 = arith.constant 0 : i32
      %dma_wait3A_484 = tpu.memref_slice %arg9[%mul3A_475, %dma_wait3A_483] : memref<8192x8xf32, #tpu.memory_space<vmem_shared>> -> memref<512x8xf32, #tpu.memory_space<vmem_shared>>
      tpu.wait_dma2 semaphore(%run_scoped3A : memref<!tpu.dma_semaphore, #tpu.memory_space<semaphore_mem>>) src(%dma_wait3A_484 : memref<512x8xf32, #tpu.memory_space<vmem_shared>>) dst(%arg8 : memref<512x8xf32, #tpu.memory_space<vmem>>)
      tpu.yield
    }) : () -> ()
    %mul3A_476 = arith.constant 512 : i32
    %mul3A_477 = arith.muli %add3A, %mul3A_476 : i32
    "tpu.region"() ({
      %run_scoped3A = tpu.sem_alloc : memref<!tpu.dma_semaphore, #tpu.memory_space<semaphore_mem>>
      %dma_start3A_478 = arith.constant 0 : i32
      %dma_start3A_479 = tpu.memref_slice %arg4[%mul3A_477, %dma_start3A_478] : memref<16384x8xf32, #tpu.memory_space<hbm>> -> memref<512x8xf32, #tpu.memory_space<hbm>>
      %dma_start3A_480 = arith.constant 0 : i32
      %dma_start3A_481 = tpu.memref_slice %arg4[%mul3A_477, %dma_start3A_480] : memref<16384x8xf32, #tpu.memory_space<hbm>> -> memref<512x8xf32, #tpu.memory_space<hbm>>
      tpu.enqueue_dma source(%arg8 : memref<512x8xf32, #tpu.memory_space<vmem>>) target(%dma_start3A_481 : memref<512x8xf32, #tpu.memory_space<hbm>>) target_semaphore(%run_scoped3A : memref<!tpu.dma_semaphore, #tpu.memory_space<semaphore_mem>>)
      %dma_wait3A = arith.constant 0 : i32
      %dma_wait3A_482 = tpu.memref_slice %arg4[%mul3A_477, %dma_wait3A] : memref<16384x8xf32, #tpu.memory_space<hbm>> -> memref<512x8xf32, #tpu.memory_space<hbm>>
      %dma_wait3A_483 = arith.constant 0 : i32
      %dma_wait3A_484 = tpu.memref_slice %arg4[%mul3A_477, %dma_wait3A_483] : memref<16384x8xf32, #tpu.memory_space<hbm>> -> memref<512x8xf32, #tpu.memory_space<hbm>>
      tpu.wait_dma2 semaphore(%run_scoped3A : memref<!tpu.dma_semaphore, #tpu.memory_space<semaphore_mem>>) src(%arg8 : memref<512x8xf32, #tpu.memory_space<vmem>>) dst(%dma_wait3A_484 : memref<512x8xf32, #tpu.memory_space<hbm>>)
      tpu.yield
    }) : () -> ()
    return
  }
}

</mosaic_0001>

<sc_bundles>
// kernel: _run.3.cloned.1.call-start
scs
__scs_entry_jumppad:
0x0: {  	(pc) =	sbr.rel $0x88, $3  }
0x1: {  	(tag) =	ssettag $0x0;
	lr =	simm.s32 $0x1  }
0x2: {  	[smem:$0x3F9F] =	sst lr;
	_ =	strace $0xD0000000  }
0x3: {  	_ = 	snop  }
0x4: {  	_ = 	snop  }
0x5: {  	_ = 	snop  }
0x6: {  	_ = 	snop  }
0x7: {  	_ = 	snop  }
__scs_overlays_trampoline_lowered:
0x8: {  	[smem:$0x3FAE] =	sst s0  }
0x9: {  	[smem:$0x3FAF] =	sst s1  }
0xa: {  	[smem:$0x3FB0] =	sst s2  }
0xb: {  	[smem:$0x3FB1] =	sst s3  }
0xc: {  	[smem:$0x3FB2] =	sst s4  }
0xd: {  	[smem:$0x3FB3] =	sst s5  }
0xe: {  	[smem:$0x3FB4] =	sst s6  }
0xf: {  	[smem:$0x3FB5] =	sst s7  }
0x10: {  	[smem:$0x3FB6] =	sst s8  }
0x11: {  	[smem:$0x3FB7] =	sst s9;
	s0 =	simm.s32 @!p0 $0x0  }
0x12: {  	s1 =	sld [smem:$0x3F9D];
	s0 =	simm.s32 @p0 $0x1  }
0x13: {  	[smem:$0x3FB8] =	sst s0;
	s0 =	simm.s32 @!p1 $0x0  }
0x14: {  	s2 =	sld [smem:$0x3F9C];
	s0 =	simm.s32 @p1 $0x1  }
0x15: {  	[smem:$0x3FB9] =	sst s0;
	s0 =	simm.s32 @!p2 $0x0  }
0x16: {  	s3 =	sld [smem:$0x3FDB];
	s0 =	simm.s32 @p2 $0x1  }
0x17: {  	s4 =	simm.s32 $0x1BF5;
	[smem:$0x3FBB] =	sst s0  }
0x18: {  	s0 =	sld [smem:$0x3F9E];
	_ =	swait.ge [sflag:s4], $0x0  }
0x19: {  	s7 =	sld [smem:$0x3F9F]  }
0x1a: {  	s8 =	sadd.s32 $0xFFFFE003, lr  }
0x1b: {  	s9 =	sadd.s32 $0xFFFFFEF7, lr;
	s5 =	simm.s32 $0xFFFFFFFF;
	p2 =	slt.u32 s8, $0xFFFFF086  }
0x1c: {  	p1 =	slt.u32 s9, $0xF7A;
	s5 =	simm.s32 @!p2 $0x0  }
0x1d: {  	s5 =	simm.s32 @p1 $0x1;
	p0 =	seq.s32 s7, s2  }
0x1e: {  	s7 =	smul.u32 @!p0 $0xF7A, s2;
	p2 =	seq.s32 @!p0 s5, $0x0  }
0x1f: {  	s9 =	smul.u32 $0xF7A, s1;
	s8 =	simm.s32 @!p0 $0x1BF5;
	p2 =	por !p2, p0  }
0x20: {  	[sflag:s8] =	ssyncset.s32 @!p0 $0xFFFFF086;
	s6 =	sadd.s32 @!p0 s3, s7;
	s7 =	simm.s32 @!p0 $0x108  }
0x21: {  	s3 =	sadd.s32 s3, s9;
	s6 =	sadd.s32 @!p0 $0x88, s6;
	s7 =	simm.s32 @p2 $0x1082  }
0x22: {  	[simem:s7], [sflag:s8] =	dma.local @!p0 [hbm:s6], $0xF7A  }
0x23: {  	s9 =	sor.u32 $0xD0000000, s2;
	s6 =	simm.s32 $0x108;
	_ =	swait.ge @!p0 [sflag:s8], $0x0  }
0x24: {  	s3 =	sadd.s32 $0x88, s3;
	s6 =	simm.s32 @!p1 $0x1082;
	[sflag:s4] =	ssyncset.s32 $0xFFFFF086  }
0x25: {  	[simem:s6], [sflag:s4] =	dma.local [hbm:s3], $0xF7A  }
0x26: {  	[smem:$0x3F9F] =	sst s1;
	(tag) =	ssettag s2;
	_ =	strace s9  }
0x27: {  	s1 =	sld [smem:$0x3FAF]  }
0x28: {  	s2 =	sld [smem:$0x3FB0]  }
0x29: {  	s4 =	sld [smem:$0x3FB2]  }
0x2a: {  	p0 =	seq.s32 s5, $0x0;
	s5 =	sld [smem:$0x3FB3]  }
0x2b: {  	s6 =	sld [smem:$0x3FB4]  }
0x2c: {  	s7 =	sld [smem:$0x3FB5]  }
0x2d: {  	s3 =	simm.s32 $0x108;
	s8 =	sld [smem:$0x3FB6]  }
0x2e: {  	s3 =	simm.s32 @!p0 $0x1082;
	s9 =	sld [smem:$0x3FB7]  }
0x2f: {  	lr =	sadd.s32 s0, s3;
	s0 =	sld [smem:$0x3FAE]  }
0x30: {  	s3 =	sld [smem:$0x3FB1]  }
0x31: {  	[smem:$0x3FBA] =	sst s10  }
0x32: {  	s10 =	sld [smem:$0x3FB8];
	_ =	sdelay $0x3  }
0x33: {  	p0 =	seq.s32 s10, $0x1;
	s10 =	sld [smem:$0x3FBA];
	_ =	sdelay $0x3  }
0x34: {  	[smem:$0x3FBA] =	sst s10  }
0x35: {  	s10 =	sld [smem:$0x3FB9];
	_ =	sdelay $0x3  }
0x36: {  	p1 =	seq.s32 s10, $0x1;
	s10 =	sld [smem:$0x3FBA];
	_ =	sdelay $0x3  }
0x37: {  	[smem:$0x3FBA] =	sst s10  }
0x38: {  	s10 =	sld [smem:$0x3FBB]  }
0x39: {  	_ = 	snop;
	(pc) =	sbr.ind lr, $3  }
0x3a: {  	_ = 	snop  }
0x3b: {  	_ = 	snop  }
0x3c: {  	p2 =	seq.s32 s10, $0x1;
	s10 =	sld [smem:$0x3FBA]  }
0x3d: {  	_ =	shalt  }
0x3e: {  	_ =	shalt  }
0x3f: {  	_ =	shalt  }
0x40: {  	_ =	shalt  }
0x41: {  	_ =	shalt  }
0x42: {  	_ =	shalt  }
0x43: {  	_ =	shalt  }
0x44: {  	_ =	shalt  }
0x45: {  	_ =	shalt  }
0x46: {  	_ =	shalt  }
0x47: {  	_ =	shalt  }
0x48: {  	_ =	shalt  }
0x49: {  	_ =	shalt  }
0x4a: {  	_ =	shalt  }
0x4b: {  	_ =	shalt  }
0x4c: {  	_ =	shalt  }
0x4d: {  	_ =	shalt  }
0x4e: {  	_ =	shalt  }
0x4f: {  	_ =	shalt  }
0x50: {  	_ =	shalt  }
0x51: {  	_ =	shalt  }
0x52: {  	_ =	shalt  }
0x53: {  	_ =	shalt  }
0x54: {  	_ =	shalt  }
0x55: {  	_ =	shalt  }
0x56: {  	_ =	shalt  }
0x57: {  	_ =	shalt  }
0x58: {  	_ =	shalt  }
0x59: {  	_ =	shalt  }
0x5a: {  	_ =	shalt  }
0x5b: {  	_ =	shalt  }
0x5c: {  	_ =	shalt  }
0x5d: {  	_ =	shalt  }
0x5e: {  	_ =	shalt  }
0x5f: {  	_ =	shalt  }
0x60: {  	_ =	shalt  }
0x61: {  	_ =	shalt  }
0x62: {  	_ =	shalt  }
0x63: {  	_ =	shalt  }
0x64: {  	_ =	shalt  }
0x65: {  	_ =	shalt  }
0x66: {  	_ =	shalt  }
0x67: {  	_ =	shalt  }
0x68: {  	_ =	shalt  }
0x69: {  	_ =	shalt  }
0x6a: {  	_ =	shalt  }
0x6b: {  	_ =	shalt  }
0x6c: {  	_ =	shalt  }
0x6d: {  	_ =	shalt  }
0x6e: {  	_ =	shalt  }
0x6f: {  	_ =	shalt  }
0x70: {  	_ =	shalt  }
0x71: {  	_ =	shalt  }
0x72: {  	_ =	shalt  }
0x73: {  	_ =	shalt  }
0x74: {  	_ =	shalt  }
0x75: {  	_ =	shalt  }
0x76: {  	_ =	shalt  }
0x77: {  	_ =	shalt  }
0x78: {  	_ =	shalt  }
0x79: {  	_ =	shalt  }
0x7a: {  	_ =	shalt  }
0x7b: {  	_ =	shalt  }
0x7c: {  	_ =	shalt  }
0x7d: {  	_ =	shalt  }
0x7e: {  	_ =	shalt  }
0x7f: {  	_ =	shalt  }
0x80: {  	_ =	shalt  }
0x81: {  	_ =	shalt  }
0x82: {  	_ =	shalt  }
0x83: {  	_ =	shalt  }
0x84: {  	_ =	shalt  }
0x85: {  	_ =	shalt  }
0x86: {  	_ =	shalt  }
0x87: {  	_ =	shalt  }
.Lfunc_end0:
.L_simem_size_0:
called_computation_lowered:
.L_overlay_start_0:
0x88: {  	s2 =	sld [smem:$0x3FD9]  }
0x89: {  	s3 =	sld [smem:$0x3FFE];
	_ =	sdelay $0x1  }
0x8a: {  	s1 =	srdreg.scid  }
0x8b: {  	s0 =	sand.u32 $0x1, s1  }
0x8c: {  	s17 =	sshll.u32 s0, $0xA;
	s2 =	sadd.s32 s3, s2  }
0x8d: {  	s2 =	sadd.s32 s2, s17  }
0x8e: {  	[smem:$0x3FC6] =	sst s2  }
0x8f: {  	_ = 	snop  }
0x90: {  	s2 =	sld [smem:$0x3FD0];
	(tm) =	ssettm $0x1  }
0x91: {  	s18 =	sld [smem:$0x3FFB];
	_ =	sdelay $0x3  }
0x92: {  	_ =	strace s18  }
0x93: {  	s3 =	sld [smem:$0x3FFC];
	_ =	sdelay $0x3  }
0x94: {  	_ =	strace s3  }
0x95: {  	s3 =	sld [smem:$0x3FFD];
	_ =	sdelay $0x3  }
0x96: {  	_ =	strace s3  }
0x97: {  	_ =	strace $0x8FFFFFFF  }
0x98: {  	s19 =	sld [smem:$0x3FDB];
	_ =	sdelay $0x1  }
0x99: {  	s4 =	simm.s32 $_scs_section_size  }
0x9a: {  	s5 =	simm.s32 $_size__tile_overlayer_lowered;
	s6 =	simm.s32 $_tile_overlayer_lowered  }
0x9b: {  	s22 =	simm.s32 $0x1BFF;
	s21 =	sshll.u32 s6, $0x1;
	s3 =	sadd.s32 s4, s19  }
0x9c: {  	s7 =	simm.s32 $0x0;
	s20 =	sshll.u32 s5, $0x1;
	s5 =	sadd.s32 s21, s3  }
0x9d: {  	[timem:s7], [sflag:s22] =	dma.local [hbm:s5], s20  }
0x9e: {  	_ =	swait.ge [sflag:s22], s20  }
0x9f: {  	s4 =	ssub.s32 $0x0, s20;
	[sflag:s22] =	ssyncset.done $0x0  }
0xa0: {  	[sflag:s22] =	ssyncadd.s32 s4;
	_ =	sdelay $0x1  }
0xa1: {  	s23 =	simm.s32 $0x1B8B  }
0xa2: {  	_ =	swait.ge [sflag:s23], $0x1  }
0xa3: {  	[sflag:s23] =	ssyncset.done $0x0  }
0xa4: {  	s25 =	simm.s32 $0x1B8E;
	s24 =	sld [smem:$0x3FFE];
	[sflag:s23] =	ssyncadd.s32 $0xFFFFFFFF  }
0xa5: {  	s26 =	simm.s32 $execute0_lowered;
	[smem:$0x3FD2] =	sst s25  }
0xa6: {  	s5 =	sshll.u32 s26, $0x1;
	_ =	strace $0x80000046;
	[dreg:$0x1] =	wrdreg $0xFFFFFFFF  }
0xa7: {  	s28 =	simm.s32 $_size_execute0_lowered;
	s3 =	sadd.s32 s3, s5;
	[dreg:$0x0] =	wrdreg $0x0  }
0xa8: {  	s5 =	sshll.u32 s28, $0x1;
	[dreg:$0x2] =	wrdreg s3  }
0xa9: {  	[dreg:$0x3] =	wrdreg s5  }
0xaa: {  	[dreg:$0x4] =	wrdreg $0xC0  }
0xab: {  	_ =	task [dreg:s7], $0x5FFFF  }
0xac: {  	[dreg:$0x1] =	wrdreg $0xFFFFFFFF  }
0xad: {  	[dreg:$0x0] =	wrdreg $0x60  }
0xae: {  	[dreg:$0x2] =	wrdreg s24  }
0xaf: {  	[dreg:$0x3] =	wrdreg s2  }
0xb0: {  	[dreg:$0x4] =	wrdreg $0x4E000  }
0xb1: {  	[dreg:$0x5] =	wrdreg $0x9  }
0xb2: {  	_ =	task.clear_ibuf [dreg:s7], $0x6FFFF;
	_ =	strace $0x90000046  }
0xb3: {  	s29 =	simm.s32 $0x9;
	_ =	strace $0x80000048  }
0xb4: {  	_ =	swait.ge [sflag:s29], $0x1  }
0xb5: {  	[sflag:s29] =	ssyncadd.s32 $0xFFFFFFFF  }
0xb6: {  	_ =	strace $0x90000048  }
0xb7: {  	_ =	sfence  }
0xb8: {  	s30 =	sld [smem:$0x0];
	_ =	sdelay $0x2  }
0xb9: {  	s31 =	sshll.u32 s1, $0xD;
	s1 =	sshrl.u32 s1, $0x2  }
0xba: {  	s3 =	sand.u32 $0x4000, s31;
	s1 =	sadd.s32 s1, s30  }
0xbb: {  	s0 =	sor.u32 s3, s0;
	s1 =	sshll.u32 s1, $0x11  }
0xbc: {  	s0 =	sor.u32 s1, s0  }
0xbd: {  	s0 =	sadd.s32 $0x8F2B, s0  }
0xbe: {  	[sflag:s0] =	ssyncadd.remote.s32 $0x1  }
0xbf: {  	_ =	sfence.sel $0xFFFF  }
0xc0: {  	[dreg:$0x0] =	wrdreg $0xFFFFFFFF;
	(pc) =	sbr.abs _section_cstart, $3  }
0xc1: {  	[dreg:$0x1] =	wrdreg $0xFFFFFFFF  }
0xc2: {  	_ =	task.clear_ibuf [dreg:s7], $0x2FFFF;
	_ =	strace $0x9FFFFFFF  }
0xc3: {  	(tm) =	ssettm $0x7FFFFFFF  }
tec
execute0_lowered:
.L_overlay_start_1:
0x0: {  	(tag) =	ssettag $0x1  }
0x1: {  	s0 =	rddreg [dreg:$0x0];
	s1 =	srdreg.scid  }
0x2: {  	s6 =	rddreg [dreg:$0x1];
	s3 =	stileid.u32  }
0x3: {  	s2 =	rddreg [dreg:$0x2];
	s9 =	stileid.u32  }
0x4: {  	s1 =	sand.u32 $0x1, s1;
	s4 =	sshll.u32 s3, $0xA;
	s3 =	simm.s32 $0x0  }
0x5: {  	s5 =	sshll.u32 s1, $0x9;
	[smem:$0x7FF] =	sst s3;
	s1 =	ssub.s32 $0x2, s1  }
0x6: {  	s7 =	sor.u32 s5, s4;
	_ =	strace $0x80000047;
	s8 =	sshrl.u32 s1, $0x1  }
0x7: {  	s4 =	sshrl.u32 s7, $0x3;
	s31 =	ssub.s32 s1, s8;
	s1 =	sshll.u32 s9, $0x9  }
0x8: {  	s6 =	sadd.s32 s6, s7;
	s30 =	sadd.s32 s4, s0;
	s4 =	sadd.s32 $0x27ACA00, s0  }
0x9: {  	[dreg:$0x4] =	wrdreg s31;
	s0 =	sor.u32 $0x10, s1;
	s9 =	sor.u32 $0x20, s1  }
0xa: {  	s10 =	sor.u32 $0x30, s1;
	s11 =	sor.u32 $0x40, s1;
	s12 =	sor.u32 $0x50, s1  }
0xb: {  	s13 =	sor.u32 $0x60, s1;
	s14 =	sor.u32 $0x70, s1;
	s15 =	sor.u32 $0x80, s1  }
0xc: {  	s16 =	sor.u32 $0x90, s1;
	s17 =	sor.u32 $0xA0, s1;
	s18 =	sor.u32 $0xB0, s1  }
0xd: {  	s19 =	sor.u32 $0xC0, s1;
	s20 =	sor.u32 $0xD0, s1;
	s21 =	sor.u32 $0xE0, s1  }
0xe: {  	s22 =	sor.u32 $0xF0, s1;
	s23 =	sor.u32 $0x100, s1;
	s24 =	sor.u32 $0x110, s1  }
0xf: {  	s25 =	sor.u32 $0x120, s1;
	s26 =	sor.u32 $0x130, s1;
	s28 =	sor.u32 $0x140, s1  }
0x10: {  	v31 =	vlaneseq.u32;
	s29 =	sor.u32 $0x150, s1;
	s31 =	sor.u32 $0x170, s1;
	s5 =	sadd.s32 $0x600, s30  }
0x11: {  	v0 =	vor.u32 s0, v31;
	s30 =	sor.u32 $0x160, s1;
	v2 =	vor.u32 s10, v31;
	s0 =	sor.u32 $0x180, s1;
	s10 =	sor.u32 $0x190, s1  }
0x12: {  	v5 =	vor.u32 s13, v31;
	v6 =	vor.u32 s14, v31;
	v7 =	vor.u32 s15, v31;
	s13 =	sor.u32 $0x1A0, s1;
	s14 =	sor.u32 $0x1B0, s1;
	s15 =	sor.u32 $0x1C0, s1  }
0x13: {  	v8 =	vor.u32 s16, v31;
	v9 =	vor.u32 s17, v31;
	s16 =	sor.u32 $0x1D0, s1;
	s17 =	sor.u32 $0x1E0, s1;
	v12 =	vor.u32 s20, v31;
	s20 =	rddreg [dreg:$0x4]  }
0x14: {  	v13 =	vor.u32 s1, v31;
	v10 =	vor.u32 s18, v31;
	s18 =	stileid.u32;
	s1 =	sor.u32 $0x1F0, s1;
	[dreg:$0x5] =	wrdreg s13  }
0x15: {  	v1 =	vor.u32 s9, v31;
	v3 =	vor.u32 s11, v31;
	s9 =	simm.s32 $0x200;
	s11 =	simm.s32 $0x3;
	[dreg:$0x6] =	wrdreg s14  }
0x16: {  	v4 =	vor.u32 s12, v31;
	v14 =	vor.u32 s21, v31;
	s12 =	simm.s32 $0x80;
	s21 =	simm.s32 $0x3D00;
	[dreg:$0x7] =	wrdreg s15  }
0x17: {  	v11 =	vor.u32 s19, v31;
	v15 =	vor.u32 s22, v31;
	v16 =	vor.u32 s23, v31;
	s22 =	simm.s32 $0x3D80;
	s23 =	simm.s32 $0x2;
	[dreg:$0x8] =	wrdreg s17  }
0x18: {  	v17 =	vor.u32 s24, v31;
	v18 =	vor.u32 s25, v31;
	v20 =	vor.u32 s28, v31;
	s24 =	simm.s32 $0x3380;
	s25 =	simm.s32 $0x3E00;
	s28 =	rddreg [dreg:$0x5]  }
0x19: {  	v19 =	vor.u32 s26, v31;
	v21 =	vor.u32 s29, v31;
	v23 =	vor.u32 s31, v31;
	s26 =	simm.s32 $0x0;
	s7 =	sshll.u32 s18, $0xC;
	s29 =	rddreg [dreg:$0x6]  }
0x1a: {  	s8 =	smax.u32 s20, $0x1;
	s13 =	simm.s32 $0x3400;
	v22 =	vor.u32 s30, v31;
	v24 =	vor.u32 s0, v31;
	v25 =	vor.u32 s10, v31;
	s30 =	rddreg [dreg:$0x7]  }
0x1b: {  	s14 =	simm.s32 $0x3800;
	s15 =	simm.s32 $0x1;
	v29 =	vor.u32 s16, v31;
	s31 =	rddreg [dreg:$0x8];
	v26 =	vor.u32 s28, v31;
	v27 =	vor.u32 s29, v31  }
0x1c: {  	s17 =	simm.s32 $0x4;
	s18 =	simm.s32 $0x100;
	s7 =	sadd.s32 s7, s2;
	v28 =	vor.u32 s30, v31;
	v30 =	vor.u32 s31, v31;
	v31 =	vor.u32 s1, v31  }
.LBB2_1:
0x1d: {  	s0 =	simm.s32 $0x4000  }
0x1e: {  	[tilespmem:s3], [sflag:$0x3] =	stream.strided.gather [hbm4b:s5+s9], $0x3400, s0, s9, $0x38;
	[tilespmem:$0x5E00] =	vst v63  }
0x1f: {  	_ =	swait.ge [sflag:s11], $0x3400  }
0x20: {  	[sflag:s11] =	ssyncset.done $0x0  }
0x21: {  	[sflag:s11] =	ssyncadd.s32 $0xFFFFCC00  }
0x22: {  	[tilespmem:$0x3C00] =	vst v13  }
0x23: {  	[tilespmem:$0x3C10] =	vst v0  }
0x24: {  	[tilespmem:$0x3C20] =	vst v1  }
0x25: {  	[tilespmem:$0x3C30] =	vst v2  }
0x26: {  	[tilespmem:$0x3C40] =	vst v3  }
0x27: {  	[tilespmem:$0x3C50] =	vst v4  }
0x28: {  	[tilespmem:$0x3C60] =	vst v5  }
0x29: {  	[tilespmem:$0x3C70] =	vst v6  }
0x2a: {  	[tilespmem:$0x3C80] =	vst v7  }
0x2b: {  	[tilespmem:$0x3C90] =	vst v8  }
0x2c: {  	[tilespmem:$0x3CA0] =	vst v9  }
0x2d: {  	[tilespmem:$0x3CB0] =	vst v10  }
0x2e: {  	[tilespmem:$0x3CC0] =	vst v11  }
0x2f: {  	[tilespmem:$0x3CD0] =	vst v12  }
0x30: {  	[tilespmem:$0x3CE0] =	vst v14  }
0x31: {  	[tilespmem:$0x3CF0] =	vst v15  }
0x32: {  	[tilespmem:$0x3D00] =	vst v16  }
0x33: {  	[tilespmem:$0x3D10] =	vst v17  }
0x34: {  	[tilespmem:$0x3D20] =	vst v18  }
0x35: {  	[tilespmem:$0x3D30] =	vst v19  }
0x36: {  	[tilespmem:$0x3D40] =	vst v20  }
0x37: {  	[tilespmem:$0x3D50] =	vst v21  }
0x38: {  	[tilespmem:$0x3D60] =	vst v22  }
0x39: {  	[tilespmem:$0x3D70] =	vst v23  }
0x3a: {  	[tilespmem:$0x3D80] =	vst v24  }
0x3b: {  	[tilespmem:$0x3D90] =	vst v25  }
0x3c: {  	[tilespmem:$0x3DA0] =	vst v26  }
0x3d: {  	[tilespmem:$0x3DB0] =	vst v27  }
0x3e: {  	[tilespmem:$0x3DC0] =	vst v28  }
0x3f: {  	[tilespmem:$0x3DD0] =	vst v29  }
0x40: {  	[tilespmem:$0x3DE0] =	vst v30  }
0x41: {  	[tilespmem:$0x3DF0] =	vst v31  }
0x42: {  	v32 =	vld [tilespmem:s18+$0xFFFFFF00]  }
0x43: {  	v33 =	vld [tilespmem:s18+$0xFFFFFF10]  }
0x44: {  	v34 =	vld [tilespmem:s18+$0xFFFFFF20]  }
0x45: {  	v35 =	vld [tilespmem:s18+$0xFFFFFF30]  }
0x46: {  	v36 =	vld [tilespmem:s18+$0xFFFFFF40]  }
0x47: {  	v37 =	vld [tilespmem:s18+$0xFFFFFF50];
	v32 =	vadd.s32 s3, v32  }
0x48: {  	v49 =	vld [tilespmem:s18+$0xFFFFFF60];
	v48 =	vadd.s32 s3, v33;
	[tilespmem:s18+$0xFFFFFF00] =	vst v32  }
0x49: {  	v51 =	vld [tilespmem:s18+$0xFFFFFF70];
	v50 =	vadd.s32 s3, v34;
	[tilespmem:s18+$0xFFFFFF10] =	vst v48  }
0x4a: {  	v53 =	vld [tilespmem:s18+$0xFFFFFF80];
	v52 =	vadd.s32 s3, v35;
	[tilespmem:s18+$0xFFFFFF20] =	vst v50  }
0x4b: {  	v55 =	vld [tilespmem:s18+$0xFFFFFF90];
	v54 =	vadd.s32 s3, v36;
	[tilespmem:s18+$0xFFFFFF30] =	vst v52  }
0x4c: {  	v57 =	vld [tilespmem:s18+$0xFFFFFFA0];
	v56 =	vadd.s32 s3, v37;
	[tilespmem:s18+$0xFFFFFF40] =	vst v54  }
0x4d: {  	v59 =	vld [tilespmem:s18+$0xFFFFFFB0];
	v58 =	vadd.s32 s3, v49;
	[tilespmem:s18+$0xFFFFFF50] =	vst v56  }
0x4e: {  	v61 =	vld [tilespmem:s18+$0xFFFFFFC0];
	v60 =	vadd.s32 s3, v51;
	[tilespmem:s18+$0xFFFFFF60] =	vst v58  }
0x4f: {  	v63 =	vld [tilespmem:s18+$0xFFFFFFD0];
	v62 =	vadd.s32 s3, v53;
	[tilespmem:s18+$0xFFFFFF70] =	vst v60  }
0x50: {  	v41 =	vld [tilespmem:s18+$0xFFFFFFE0];
	v40 =	vadd.s32 s3, v55;
	[tilespmem:s18+$0xFFFFFF80] =	vst v62  }
0x51: {  	v43 =	vld [tilespmem:s18+$0x0];
	v42 =	vadd.s32 s3, v57;
	[tilespmem:s18+$0xFFFFFF90] =	vst v40  }
0x52: {  	v45 =	vld [tilespmem:s18+$0x10];
	v44 =	vadd.s32 s3, v59;
	[tilespmem:s18+$0xFFFFFFA0] =	vst v42  }
0x53: {  	v47 =	vld [tilespmem:s18+$0x20];
	v46 =	vadd.s32 s3, v61;
	[tilespmem:s18+$0xFFFFFFB0] =	vst v44  }
0x54: {  	v49 =	vld [tilespmem:s18+$0x30];
	[tilespmem:s18+$0xFFFFFFC0] =	vst v46;
	v48 =	vadd.s32 s3, v63  }
0x55: {  	v51 =	vld [tilespmem:s18+$0x40];
	v50 =	vadd.s32 s3, v41;
	[tilespmem:s18+$0xFFFFFFD0] =	vst v48  }
0x56: {  	v53 =	vld [tilespmem:s18+$0x50];
	v52 =	vadd.s32 s3, v43;
	[tilespmem:s18+$0xFFFFFFE0] =	vst v50  }
0x57: {  	v55 =	vld [tilespmem:s18+$0x60];
	v54 =	vadd.s32 s3, v45;
	[tilespmem:s18+$0x0] =	vst v52  }
0x58: {  	v57 =	vld [tilespmem:s18+$0x70];
	v56 =	vadd.s32 s3, v47;
	[tilespmem:s18+$0x10] =	vst v54  }
0x59: {  	v59 =	vld [tilespmem:s18+$0x80];
	[tilespmem:s18+$0x20] =	vst v56;
	v58 =	vadd.s32 s3, v49  }
0x5a: {  	v61 =	vld [tilespmem:s18+$0x90];
	v60 =	vadd.s32 s3, v51;
	[tilespmem:s18+$0x30] =	vst v58  }
0x5b: {  	v63 =	vld [tilespmem:s18+$0xA0];
	v62 =	vadd.s32 s3, v53;
	[tilespmem:s18+$0x40] =	vst v60  }
0x5c: {  	v32 =	vld [tilespmem:s18+$0xB0];
	v33 =	vadd.s32 s3, v55;
	[tilespmem:s18+$0x50] =	vst v62  }
0x5d: {  	v34 =	vadd.s32 s3, v57;
	[tilespmem:s18+$0x60] =	vst v33;
	v33 =	vld [tilespmem:s18+$0xC0]  }
0x5e: {  	v35 =	vadd.s32 s3, v59;
	[tilespmem:s18+$0x70] =	vst v34;
	v34 =	vld [tilespmem:s18+$0xD0]  }
0x5f: {  	s30 =	simm.s32 $0x186A0;
	v36 =	vadd.s32 s3, v61;
	[tilespmem:s18+$0x80] =	vst v35;
	v35 =	vld [tilespmem:s18+$0xE0]  }
0x60: {  	s28 =	simm.s32 $0x100;
	s29 =	simm.s32 $0x0;
	s31 =	simm.s32 $0x100;
	[tilespmem:s18+$0x90] =	vst v36;
	v37 =	vadd.s32 s3, v63;
	v36 =	vld [tilespmem:s18+$0xF0]  }
.LBB2_2:
0x61: {  	p0 =	sne.s32 s30, $0x2625A0;
	v38 =	vld [tilespmem:s28+$0xFFFFFFF0];
	[tilespmem:s28+$0xA0] =	vst v37;
	v32 =	vadd.s32 s29, v32;
	s31 =	sadd.s32 $0x200, s31  }
0x62: {  	v37 =	vld [tilespmem:s31+$0xFFFFFF00];
	[tilespmem:s28+$0xB0] =	vst v32;
	v32 =	vadd.s32 s29, v33  }
0x63: {  	v33 =	vld [tilespmem:s31+$0xFFFFFF10];
	[tilespmem:s28+$0xC0] =	vst v32;
	v32 =	vadd.s32 s29, v34  }
0x64: {  	v34 =	vld [tilespmem:s31+$0xFFFFFF20];
	[tilespmem:s28+$0xD0] =	vst v32;
	v32 =	vadd.s32 s29, v35  }
0x65: {  	v35 =	vld [tilespmem:s31+$0xFFFFFF30];
	[tilespmem:s28+$0xE0] =	vst v32;
	v32 =	vadd.s32 s29, v36  }
0x66: {  	v36 =	vld [tilespmem:s31+$0xFFFFFF40];
	v38 =	vadd.s32 s29, v38;
	[tilespmem:s28+$0xF0] =	vst v32;
	s29 =	smov.u32 s30  }
0x67: {  	v32 =	vadd.s32 s30, v37;
	v37 =	vld [tilespmem:s31+$0xFFFFFF50];
	[tilespmem:s28+$0xFFFFFFF0] =	vst v38;
	s28 =	smov.u32 s31  }
0x68: {  	[tilespmem:s31+$0xFFFFFF00] =	vst v32;
	v32 =	vadd.s32 s30, v33;
	v33 =	vld [tilespmem:s31+$0xFFFFFF60]  }
0x69: {  	[tilespmem:s31+$0xFFFFFF10] =	vst v32;
	v32 =	vadd.s32 s30, v34;
	v34 =	vld [tilespmem:s31+$0xFFFFFF70]  }
0x6a: {  	[tilespmem:s31+$0xFFFFFF20] =	vst v32;
	v32 =	vadd.s32 s30, v35;
	v35 =	vld [tilespmem:s31+$0xFFFFFF80]  }
0x6b: {  	[tilespmem:s31+$0xFFFFFF30] =	vst v32;
	v32 =	vadd.s32 s30, v36;
	v36 =	vld [tilespmem:s31+$0xFFFFFF90]  }
0x6c: {  	[tilespmem:s31+$0xFFFFFF40] =	vst v32;
	v32 =	vadd.s32 s30, v37;
	v37 =	vld [tilespmem:s31+$0xFFFFFFA0]  }
0x6d: {  	[tilespmem:s31+$0xFFFFFF50] =	vst v32;
	v32 =	vadd.s32 s30, v33;
	v33 =	vld [tilespmem:s31+$0xFFFFFFB0]  }
0x6e: {  	[tilespmem:s31+$0xFFFFFF60] =	vst v32;
	v32 =	vadd.s32 s30, v34;
	v34 =	vld [tilespmem:s31+$0xFFFFFFC0]  }
0x6f: {  	[tilespmem:s31+$0xFFFFFF70] =	vst v32;
	v32 =	vadd.s32 s30, v35;
	v35 =	vld [tilespmem:s31+$0xFFFFFFD0]  }
0x70: {  	[tilespmem:s31+$0xFFFFFF80] =	vst v32;
	v32 =	vadd.s32 s30, v36;
	v36 =	vld [tilespmem:s31+$0xFFFFFFE0]  }
0x71: {  	[tilespmem:s31+$0xFFFFFF90] =	vst v32;
	v32 =	vadd.s32 s30, v37;
	v37 =	vld [tilespmem:s31+$0x0]  }
0x72: {  	[tilespmem:s31+$0xFFFFFFA0] =	vst v32;
	v32 =	vadd.s32 s30, v33;
	v33 =	vld [tilespmem:s31+$0x10]  }
0x73: {  	[tilespmem:s31+$0xFFFFFFB0] =	vst v32;
	v32 =	vadd.s32 s30, v34;
	v34 =	vld [tilespmem:s31+$0x20]  }
0x74: {  	[tilespmem:s31+$0xFFFFFFC0] =	vst v32;
	v32 =	vadd.s32 s30, v35;
	v35 =	vld [tilespmem:s31+$0x30]  }
0x75: {  	[tilespmem:s31+$0xFFFFFFD0] =	vst v32;
	v32 =	vadd.s32 s30, v36;
	v36 =	vld [tilespmem:s31+$0x40]  }
0x76: {  	[tilespmem:s31+$0xFFFFFFE0] =	vst v32;
	v32 =	vadd.s32 s30, v37;
	v37 =	vld [tilespmem:s31+$0x50]  }
0x77: {  	[tilespmem:s31+$0x0] =	vst v32;
	v32 =	vadd.s32 s30, v33;
	v33 =	vld [tilespmem:s31+$0x60]  }
0x78: {  	[tilespmem:s31+$0x10] =	vst v32;
	v32 =	vadd.s32 s30, v34;
	v34 =	vld [tilespmem:s31+$0x70]  }
0x79: {  	[tilespmem:s31+$0x20] =	vst v32;
	v32 =	vadd.s32 s30, v35;
	v35 =	vld [tilespmem:s31+$0x80]  }
0x7a: {  	[tilespmem:s31+$0x30] =	vst v32;
	v32 =	vadd.s32 s30, v36;
	v36 =	vld [tilespmem:s31+$0x90]  }
0x7b: {  	[tilespmem:s31+$0x40] =	vst v32;
	v32 =	vadd.s32 s30, v37;
	v37 =	vld [tilespmem:s31+$0xA0]  }
.Ltmp0:
0x7c: {  	[tilespmem:s31+$0x50] =	vst v32;
	v33 =	vadd.s32 s30, v33;
	v32 =	vld [tilespmem:s31+$0xB0];
	(pc) =	sbr.rel @p0 .LBB2_2-.Ltmp0, $4  }
0x7d: {  	[tilespmem:s31+$0x60] =	vst v33;
	v34 =	vadd.s32 s30, v34;
	v33 =	vld [tilespmem:s31+$0xC0]  }
0x7e: {  	[tilespmem:s31+$0x70] =	vst v34;
	v35 =	vadd.s32 s30, v35;
	v34 =	vld [tilespmem:s31+$0xD0]  }
0x7f: {  	[tilespmem:s31+$0x80] =	vst v35;
	v36 =	vadd.s32 s30, v36;
	v35 =	vld [tilespmem:s31+$0xE0]  }
0x80: {  	s30 =	sadd.s32 $0x186A0, s30;
	[tilespmem:s31+$0x90] =	vst v36;
	v37 =	vadd.s32 s29, v37;
	v36 =	vld [tilespmem:s31+$0xF0]  }
0x81: {  	v38 =	vld [tilespmem:s28+$0xFFFFFFF0];
	[tilespmem:s28+$0xA0] =	vst v37;
	v32 =	vadd.s32 s29, v32  }
0x82: {  	[tilespmem:s28+$0xB0] =	vst v32;
	v59 =	vadd.s32 s29, v33  }
0x83: {  	[tilespmem:s28+$0xC0] =	vst v59;
	v60 =	vadd.s32 s29, v34  }
0x84: {  	[tilespmem:s28+$0xD0] =	vst v60;
	v61 =	vadd.s32 s29, v35  }
0x85: {  	[tilespmem:s28+$0xE0] =	vst v61;
	v62 =	vadd.s32 s29, v36  }
0x86: {  	v63 =	vadd.s32 s29, v38;
	[tilespmem:s28+$0xF0] =	vst v62  }
0x87: {  	[tilespmem:s28+$0xFFFFFFF0] =	vst v63  }
0x88: {  	[tilespmem:s13], [sflag:$0x1] =	stream.indirect.gather [hbm4b:s4+s12], $0x8, s3, s12, $0xb8;
	[tilespmem:$0x5E00] =	vst v63  }
0x89: {  	_ = 	snop  }
0x8a: {  	[tilespmem:s14], [sflag:$0x2] =	stream.indirect.gather [hbm4b:s4+s12], $0x8, s12, s12, $0xb8;
	[tilespmem:$0x5E00] =	vst v63  }
0x8b: {  	_ =	swait.ge [sflag:s15], $0x400  }
0x8c: {  	[sflag:s15] =	ssyncset.done $0x0  }
0x8d: {  	s0 =	simm.s32 $0x3C00;
	[sflag:s15] =	ssyncadd.s32 $0xFFFFFC00  }
0x8e: {  	[spmem:s2] =	stream.indirect.scatter [tilespmem:s13], [sflag:$0x4], $0x8, s0, s12, $0xb8;
	[tilespmem:$0x5E00] =	vst v63  }
0x8f: {  	_ =	swait.ge [sflag:s17], $0x400  }
0x90: {  	[sflag:s17] =	ssyncset.done $0x0  }
0x91: {  	s19 =	simm.s32 $0x2;
	[sflag:s17] =	ssyncadd.s32 $0xFFFFFC00  }
0x92: {  	[tilespmem:s13], [sflag:$0x1] =	stream.indirect.gather [hbm4b:s4+s12], $0x8, s18, s12, $0xb8;
	[tilespmem:$0x5E00] =	vst v63  }
0x93: {  	_ =	swait.ge [sflag:s19], $0x400  }
0x94: {  	[sflag:s19] =	ssyncset.done $0x0  }
0x95: {  	s1 =	simm.s32 $0x3C80;
	[sflag:s19] =	ssyncadd.s32 $0xFFFFFC00  }
0x96: {  	[spmem:s2] =	stream.indirect.scatter [tilespmem:s14], [sflag:$0x4], $0x8, s1, s12, $0xb8;
	[tilespmem:$0x5E00] =	vst v63  }
0x97: {  	_ =	swait.ge [sflag:s17], $0x400  }
0x98: {  	[sflag:s17] =	ssyncset.done $0x0  }
0x99: {  	s20 =	simm.s32 $0x180;
	[sflag:s17] =	ssyncadd.s32 $0xFFFFFC00  }
0x9a: {  	[tilespmem:s14], [sflag:$0x2] =	stream.indirect.gather [hbm4b:s4+s12], $0x8, s20, s12, $0xb8;
	[tilespmem:$0x5E00] =	vst v63  }
0x9b: {  	_ =	swait.ge [sflag:s15], $0x400  }
0x9c: {  	[sflag:s15] =	ssyncset.done $0x0  }
0x9d: {  	[sflag:s15] =	ssyncadd.s32 $0xFFFFFC00  }
0x9e: {  	[spmem:s2] =	stream.indirect.scatter [tilespmem:s13], [sflag:$0x4], $0x8, s21, s12, $0xb8;
	[tilespmem:$0x5E00] =	vst v63  }
0x9f: {  	_ =	swait.ge [sflag:s17], $0x400  }
0xa0: {  	[sflag:s17] =	ssyncset.done $0x0  }
0xa1: {  	[sflag:s17] =	ssyncadd.s32 $0xFFFFFC00  }
0xa2: {  	[tilespmem:s13], [sflag:$0x1] =	stream.indirect.gather [hbm4b:s4+s12], $0x8, s9, s12, $0xb8;
	[tilespmem:$0x5E00] =	vst v63  }
0xa3: {  	_ =	swait.ge [sflag:s19], $0x400  }
0xa4: {  	[sflag:s19] =	ssyncset.done $0x0  }
0xa5: {  	s1 =	simm.s32 $0x200;
	[sflag:s19] =	ssyncadd.s32 $0xFFFFFC00  }
0xa6: {  	[spmem:s2] =	stream.indirect.scatter [tilespmem:s14], [sflag:$0x4], $0x8, s22, s12, $0xb8;
	[tilespmem:$0x5E00] =	vst v63  }
0xa7: {  	s10 =	simm.s32 $0x200;
	s0 =	sand.u32 $0x100, s1;
	_ =	swait.ge [sflag:s17], $0x400  }
0xa8: {  	s1 =	sand.u32 $0x3FFFFE00, s10;
	s0 =	sor.u32 $0x80, s0;
	[sflag:s17] =	ssyncset.done $0x0  }
0xa9: {  	s10 =	simm.s32 $0x800;
	s1 =	sor.u32 s0, s1;
	[sflag:s17] =	ssyncadd.s32 $0xFFFFFC00  }
0xaa: {  	[tilespmem:s14], [sflag:$0x2] =	stream.indirect.gather [hbm4b:s4+s12], $0x8, s1, s12, $0xb8;
	[tilespmem:$0x5E00] =	vst v63  }
0xab: {  	p0 =	por $0x1, $0x1;
	s16 =	sand.u32 $0x400, s10;
	_ =	swait.ge [sflag:s15], $0x400  }
0xac: {  	s31 =	simm.s32 $0x1400;
	s1 =	sshrl.u32 s16, $0x2;
	[sflag:s15] =	ssyncset.done $0x0  }
0xad: {  	s19 =	simm.s32 $0xC00;
	s1 =	sor.u32 $0x3C00, s1;
	[sflag:s15] =	ssyncadd.s32 $0xFFFFFC00  }
0xae: {  	[spmem:s2] =	stream.indirect.scatter.add.f32 [tilespmem:s13], [sflag:$0x4], $0x8, s1, s12, $0xb8;
	[tilespmem:$0x5E00] =	vst v63  }
0xaf: {  	s20 =	simm.s32 $0x300;
	s10 =	sand.u32 $0x1F800, s19;
	_ =	swait.ge [sflag:s17], $0x400  }
0xb0: {  	s10 =	sshrl.u32 s10, $0x2;
	s1 =	sand.u32 $0x100, s20;
	[sflag:s17] =	ssyncset.done $0x0  }
0xb1: {  	s30 =	simm.s32 $0x400;
	s1 =	sor.u32 s1, s10;
	[sflag:s17] =	ssyncadd.s32 $0xFFFFFC00  }
0xb2: {  	[tilespmem:s13], [sflag:$0x1] =	stream.indirect.gather [hbm4b:s4+s12], $0x8, s1, s12, $0xb8;
	[tilespmem:$0x5E00] =	vst v63  }
0xb3: {  	s29 =	simm.s32 @p0 $0x3800;
	s28 =	simm.s32 $0x1000;
	_ =	swait.ge [sflag:s23], $0x400  }
0xb4: {  	s16 =	simm.s32 @p0 $0x80;
	s10 =	sor.u32 @p0 $0x3C00, s0;
	[sflag:s23] =	ssyncset.done $0x0  }
0xb5: {  	s0 =	sor.u32 @!p0 $0x3C00, s0;
	s1 =	simm.s32 @!p0 $0x4;
	[sflag:s23] =	ssyncadd.s32 $0xFFFFFC00  }
0xb6: {  	[spmem:s2] =	stream.indirect.scatter.add.f32 @p0 [tilespmem:s29], [sflag:$0x3], $0x8, s10, s16, $0xb8;
	[tilespmem:$0x5E00] =	vst v63  }
0xb7: {  	s1 =	simm.s32 @p0 $0x3;
	s10 =	simm.s32 @!p0 $0x80;
	s16 =	simm.s32 @!p0 $0x3800  }
0xb8: {  	[spmem:s2] =	stream.indirect.scatter @!p0 [tilespmem:s16], [sflag:$0x4], $0x8, s0, s10, $0xb8;
	[tilespmem:$0x5E00] =	vst v63  }
0xb9: {  	s29 =	simm.s32 $0x3;
	s0 =	simm.s32 $0x300;
	_ =	swait.ge [sflag:s1], $0x400  }
.LBB2_4:
0xba: {  	s0 =	sand.u32 $0x100, s0  }
0xbb: {  	s10 =	sshll.u32 s29, $0x8;
	[sflag:s1] =	ssyncset.done $0x0;
	s16 =	smov.u32 s31  }
0xbc: {  	s0 =	sor.u32 $0x80, s0;
	s10 =	sand.u32 $0x3FFFFE00, s10;
	[sflag:s1] =	ssyncadd.s32 $0xFFFFFC00  }
0xbd: {  	s31 =	sadd.s32 $0x400, s31;
	s1 =	sor.u32 s0, s10;
	s10 =	sadd.s32 $0xFFFFFC00, s28  }
0xbe: {  	[tilespmem:s14], [sflag:$0x2] =	stream.indirect.gather [hbm4b:s4+s12], $0x8, s1, s12, $0xb8;
	[tilespmem:$0x5E00] =	vst v63  }
0xbf: {  	p0 =	sne.s32 s31, $0xD000;
	s1 =	sand.u32 $0x400, s10;
	_ =	swait.ge [sflag:s15], $0x400  }
0xc0: {  	s1 =	sshrl.u32 s1, $0x2;
	[sflag:s15] =	ssyncset.done $0x0  }
0xc1: {  	s1 =	sor.u32 $0x3C00, s1;
	[sflag:s15] =	ssyncadd.s32 $0xFFFFFC00  }
0xc2: {  	[spmem:s2] =	stream.indirect.scatter.add.f32 [tilespmem:s13], [sflag:$0x4], $0x8, s1, s12, $0xb8;
	[tilespmem:$0x5E00] =	vst v63  }
0xc3: {  	s1 =	sand.u32 $0x1F800, s28;
	s28 =	smov.u32 s16;
	_ =	swait.ge [sflag:s17], $0x400  }
0xc4: {  	s10 =	sand.u32 $0x100, s30;
	s1 =	sshrl.u32 s1, $0x2;
	[sflag:s17] =	ssyncset.done $0x0  }
0xc5: {  	s1 =	sor.u32 s10, s1;
	[sflag:s17] =	ssyncadd.s32 $0xFFFFFC00  }
0xc6: {  	[tilespmem:s13], [sflag:$0x1] =	stream.indirect.gather [hbm4b:s4+s12], $0x8, s1, s12, $0xb8;
	[tilespmem:$0x5E00] =	vst v63  }
0xc7: {  	s1 =	sshrl.u32 s29, $0x1  }
0xc8: {  	_ =	swait.ge [sflag:s23], $0x400;
	p1 =	sne.s32 s1, $0x0  }
0xc9: {  	s30 =	sadd.s32 $0x100, s30;
	[sflag:s23] =	ssyncset.done $0x0;
	s10 =	sor.u32 @p1 $0x3C00, s0  }
0xca: {  	s1 =	simm.s32 @!p1 $0x4;
	s16 =	simm.s32 @p1 $0x80;
	[sflag:s23] =	ssyncadd.s32 $0xFFFFFC00  }
.Ltmp1:
0xcb: {  	s19 =	simm.s32 @p1 $0x3800;
	s20 =	simm.s32 @!p1 $0x80;
	(pc) =	sbr.rel @p0 .LBB2_4-.Ltmp1, $4  }
0xcc: {  	[spmem:s2] =	stream.indirect.scatter.add.f32 @p1 [tilespmem:s19], [sflag:$0x3], $0x8, s10, s16, $0xb8;
	[tilespmem:$0x5E00] =	vst v63  }
0xcd: {  	s0 =	sor.u32 @!p1 $0x3C00, s0;
	s1 =	simm.s32 @p1 $0x3;
	s10 =	simm.s32 @!p1 $0x3800  }
0xce: {  	[spmem:s2] =	stream.indirect.scatter @!p1 [tilespmem:s10], [sflag:$0x4], $0x8, s0, s20, $0xb8;
	[tilespmem:$0x5E00] =	vst v63  }
0xcf: {  	s29 =	sadd.s32 $0x1, s29;
	s0 =	sadd.s32 $0xFFFFFF00, s30;
	_ =	swait.ge [sflag:s1], $0x400  }
0xd0: {  	s0 =	sand.u32 $0x100, s0;
	s10 =	sshll.u32 s29, $0x8  }
0xd1: {  	[sflag:s1] =	ssyncset.done $0x0;
	s0 =	sor.u32 $0x80, s0;
	s10 =	sand.u32 $0x3FFFFE00, s10  }
0xd2: {  	s19 =	sadd.s32 $0xFFFFFC00, s28;
	[sflag:s1] =	ssyncadd.s32 $0xFFFFFC00;
	s16 =	sor.u32 s0, s10  }
0xd3: {  	[tilespmem:s14], [sflag:$0x2] =	stream.indirect.gather [hbm4b:s4+s12], $0x8, s16, s12, $0xb8;
	[tilespmem:$0x5E00] =	vst v63  }
0xd4: {  	s20 =	sand.u32 $0x400, s19;
	_ =	swait.ge [sflag:s15], $0x400  }
0xd5: {  	s1 =	sshrl.u32 s20, $0x2;
	[sflag:s15] =	ssyncset.done $0x0  }
0xd6: {  	s1 =	sor.u32 $0x3C00, s1;
	[sflag:s15] =	ssyncadd.s32 $0xFFFFFC00  }
0xd7: {  	[spmem:s2] =	stream.indirect.scatter.add.f32 [tilespmem:s13], [sflag:$0x4], $0x8, s1, s12, $0xb8;
	[tilespmem:$0x5E00] =	vst v63  }
0xd8: {  	s28 =	sand.u32 $0x1F800, s28;
	s30 =	sand.u32 $0x100, s30;
	_ =	swait.ge [sflag:s17], $0x400  }
0xd9: {  	s31 =	sshrl.u32 s29, $0x1;
	s1 =	sshrl.u32 s28, $0x2;
	[sflag:s17] =	ssyncset.done $0x0  }
0xda: {  	p0 =	sne.s32 s31, $0x0;
	s1 =	sor.u32 s30, s1;
	[sflag:s17] =	ssyncadd.s32 $0xFFFFFC00  }
0xdb: {  	[tilespmem:s13], [sflag:$0x1] =	stream.indirect.gather [hbm4b:s4+s12], $0x8, s1, s12, $0xb8;
	[tilespmem:$0x5E00] =	vst v63  }
0xdc: {  	s10 =	simm.s32 @!p0 $0x4;
	_ =	swait.ge [sflag:s23], $0x400  }
0xdd: {  	s19 =	simm.s32 @p0 $0x3800;
	s20 =	simm.s32 @!p0 $0x80;
	[sflag:s23] =	ssyncset.done $0x0  }
0xde: {  	s16 =	simm.s32 @p0 $0x80;
	s1 =	sor.u32 @p0 $0x3C00, s0;
	[sflag:s23] =	ssyncadd.s32 $0xFFFFFC00  }
0xdf: {  	[spmem:s2] =	stream.indirect.scatter.add.f32 @p0 [tilespmem:s19], [sflag:$0x3], $0x8, s1, s16, $0xb8;
	[tilespmem:$0x5E00] =	vst v63  }
0xe0: {  	s10 =	simm.s32 @p0 $0x3;
	s0 =	sor.u32 @!p0 $0x3C00, s0;
	s1 =	simm.s32 @!p0 $0x3800  }
0xe1: {  	[spmem:s2] =	stream.indirect.scatter @!p0 [tilespmem:s1], [sflag:$0x4], $0x8, s0, s20, $0xb8;
	[tilespmem:$0x5E00] =	vst v63  }
0xe2: {  	_ =	swait.ge [sflag:s10], $0x400  }
0xe3: {  	[sflag:s10] =	ssyncset.done $0x0  }
0xe4: {  	[sflag:s10] =	ssyncadd.s32 $0xFFFFFC00  }
0xe5: {  	[tilespmem:s14], [sflag:$0x2] =	stream.indirect.gather [hbm4b:s4+s12], $0x8, s24, s12, $0xb8;
	[tilespmem:$0x5E00] =	vst v63  }
0xe6: {  	_ =	swait.ge [sflag:s15], $0x400  }
0xe7: {  	[sflag:s15] =	ssyncset.done $0x0  }
0xe8: {  	[sflag:s15] =	ssyncadd.s32 $0xFFFFFC00  }
0xe9: {  	[spmem:s2] =	stream.indirect.scatter.add.f32 [tilespmem:s13], [sflag:$0x4], $0x8, s21, s12, $0xb8;
	[tilespmem:$0x5E00] =	vst v63  }
0xea: {  	_ =	swait.ge [sflag:s17], $0x400  }
0xeb: {  	[sflag:s17] =	ssyncset.done $0x0  }
0xec: {  	[sflag:s17] =	ssyncadd.s32 $0xFFFFFC00  }
0xed: {  	_ =	swait.ge [sflag:s23], $0x400  }
0xee: {  	[sflag:s23] =	ssyncset.done $0x0  }
0xef: {  	[sflag:s23] =	ssyncadd.s32 $0xFFFFFC00  }
0xf0: {  	[spmem:s2] =	stream.indirect.scatter.add.f32 [tilespmem:s14], [sflag:$0x3], $0x8, s22, s12, $0xb8;
	[tilespmem:$0x5E00] =	vst v63  }
0xf1: {  	_ =	swait.ge [sflag:s11], $0x400  }
0xf2: {  	[sflag:s11] =	ssyncset.done $0x0  }
0xf3: {  	[sflag:s11] =	ssyncadd.s32 $0xFFFFFC00  }
0xf4: {  	[tilespmem:s25], [sflag:$0x3] =	stream.linear.gather [spmem:s7], $0x1000, $0x38;
	[tilespmem:$0x5E00] =	vst v63  }
0xf5: {  	s26 =	sadd.s32 $0x1, s26;
	_ =	swait.ge [sflag:s11], $0x1000  }
0xf6: {  	p0 =	sne.s32 s26, s8;
	[sflag:s11] =	ssyncset.done $0x0  }
.Ltmp2:
0xf7: {  	[sflag:s11] =	ssyncadd.s32 $0xFFFFF000;
	(pc) =	sbr.rel @p0 .LBB2_1-.Ltmp2, $4  }
0xf8: {  	[hbm4b:s6+s3] =	stream.linear.scatter [tilespmem:s25], [sflag:$0x3], $0x1000, $0x38;
	[tilespmem:$0x5E00] =	vst v63  }
0xf9: {  	_ =	swait.ge [sflag:s11], $0x1000  }
0xfa: {  	[sflag:s11] =	ssyncset.done $0x0  }
0xfb: {  	[sflag:s11] =	ssyncadd.s32 $0xFFFFF000  }
0xfc: {  	_ =	sfence.sel $0x180000  }
0xfd: {  	[bflag:$0x0] =	sbarrier.arrive $0xFFFF  }
0xfe: {  	_ =	strace $0x90000047  }
0xff: {  	s0 =	stileid.u32;
	[bflag:$0x2] =	sbarrier.arrive $0xFFFF  }
0x100: {  	p0 =	sne.s32 s0, $0x0;
	s0 =	rddreg [dreg:$0x3]  }
0x101: {  	s0 =	sadd.s32 @!p0 $0x100000, s0  }
0x102: {  	[sflag:s0] =	ssyncadd.tile.s32 @!p0 $0x1;
	_ =	shalt  }
.Lfunc_end2:
_tile_overlayer_lowered:
.L_overlay_start_2:
0x103: {  	(tag) =	ssettag $0x2  }
0x104: {  	s0 =	rddreg [dreg:$0x0];
	s2 =	stileid.u32  }
0x105: {  	s1 =	rddreg [dreg:$0x1];
	p0 =	sne.s32 s2, $0x0  }
0x106: {  	s3 =	rddreg [dreg:$0x2];
	[bflag:$0x3] =	sbarrier.arrive $0xFFFF;
	s2 =	simm.s32 @!p0 $0x1C03  }
0x107: {  	[timem:s3], [sflag:s2] =	dma.local @!p0 [hbm:s0], s1  }
0x108: {  	s0 =	simm.s32 @!p0 $0x3  }
0x109: {  	_ =	swait.ge @!p0 [sflag:s0], s1  }
0x10a: {  	s1 =	ssub.s32 @!p0 $0x0, s1;
	[sflag:s0] =	ssyncset.done @!p0 $0x0  }
0x10b: {  	[sflag:s0] =	ssyncadd.s32 @!p0 s1  }
0x10c: {  	[bflag:$0x3] =	sbarrier.arrive $0xFFFF  }
0x10d: {  	_ =	shalt  }

</sc_bundles>
